<compile_context>
chip_gen: v7x
topology: tpu7x:2x2x1
jax: 0.10.2.dev20260603
libtpu: 0.0.44.dev20260713+nightly
codegen_flags: <defaults>
</compile_context>

<pallas_src>
import functools

import jax
import jax.numpy as jnp
from jax import lax
from jax.experimental import pallas as pl
from jax.experimental.pallas import tpu as pltpu
from jax.experimental.pallas import tpu_sc as plsc

_N, _E, _D, _H, _O, _Q = 10000, 320000, 128, 128, 2, 4096
_NC, _NS = 2, 16
_NW = _NC * _NS
_EPW = _E // _NW
_CH = 120
_EPWP = 10080
_NCH = _EPWP // _CH
_NPAD = _N + 16
_RB = 624
_RREM = _N - _NS * _RB
_QW = 2 * _Q // _NW
_QCH = _QW // 128

_sc_mesh = plsc.VectorSubcoreMesh(core_axis_name="c", subcore_axis_name="s")


@functools.partial(
    pl.kernel,
    out_type=jax.ShapeDtypeStruct((_NC * _N, _H), jnp.float32),
    mesh=_sc_mesh,
    scratch_types=[
        pltpu.VMEM((_NCH, _CH), jnp.int32),
        pltpu.VMEM((_NCH, _CH), jnp.int32),
        pltpu.VMEM((_CH, _H), jnp.float32),
        pltpu.VMEM_SHARED((_NPAD, _H), jnp.float32),
        pltpu.SemaphoreType.DMA,
    ],
)
def _spmm(m_hbm, src_hbm, dst_hbm, zeros_hbm, part_hbm,
          src_v, dst_v, rows_v, acc_sh, sem):
    cid = lax.axis_index("c")
    sid = lax.axis_index("s")
    pltpu.sync_copy(src_hbm.at[cid * _NS + sid], src_v)
    pltpu.sync_copy(dst_hbm.at[cid * _NS + sid], dst_v)
    pltpu.sync_copy(zeros_hbm.at[pl.ds(0, _RB)],
                    acc_sh.at[pl.ds(sid * _RB, _RB)])

    @pl.when(sid == _NS - 1)
    def _zero_tail():
        pltpu.sync_copy(zeros_hbm.at[pl.ds(0, _RREM)],
                        acc_sh.at[pl.ds(_NS * _RB, _RREM)])

    plsc.subcore_barrier()

    def step(i, carry):
        pltpu.async_copy(m_hbm.at[src_v.at[i]], rows_v, sem).wait()
        pltpu.sync_copy(rows_v, acc_sh.at[dst_v.at[i]], add=True)
        return carry

    lax.fori_loop(0, _NCH, step, 0)
    plsc.subcore_barrier()
    pltpu.sync_copy(acc_sh.at[pl.ds(sid * _RB, _RB)],
                    part_hbm.at[pl.ds(cid * _N + sid * _RB, _RB)])

    @pl.when(sid == _NS - 1)
    def _drain_tail():
        pltpu.sync_copy(acc_sh.at[pl.ds(_NS * _RB, _RREM)],
                        part_hbm.at[pl.ds(cid * _N + _NS * _RB, _RREM)])


@functools.partial(
    pl.kernel,
    out_type=jax.ShapeDtypeStruct((2 * _Q, _H), jnp.float32),
    mesh=_sc_mesh,
    scratch_types=[
        pltpu.VMEM((_QCH, 128), jnp.int32),
        pltpu.VMEM((128, _H), jnp.float32),
        pltpu.SemaphoreType.DMA,
    ],
)
def _egather(h_hbm, eidx_hbm, out_hbm, idx_v, rows_v, sem):
    wid = lax.axis_index("c") * _NS + lax.axis_index("s")
    pltpu.sync_copy(eidx_hbm.at[wid], idx_v)
    for j in range(_QCH):
        pltpu.async_copy(h_hbm.at[idx_v.at[j]], rows_v, sem).wait()
        pltpu.sync_copy(rows_v, out_hbm.at[pl.ds(wid * _QW + j * 128, 128)])


def _mm(a, b):
    return jnp.dot(a, b, preferred_element_type=jnp.float32)


def _relu_lin_body(x_ref, w_ref, b_ref, o_ref):
    o_ref[...] = jnp.maximum(_mm(x_ref[...], w_ref[...]) + b_ref[...], 0.0)


def _relu_lin(x, w, b):
    n, bn = x.shape[0], 1000
    return pl.pallas_call(
        _relu_lin_body,
        grid=(n // bn,),
        in_specs=[pl.BlockSpec((bn, x.shape[1]), lambda i: (i, 0)),
                  pl.BlockSpec(w.shape, lambda i: (0, 0)),
                  pl.BlockSpec((1, w.shape[1]), lambda i: (0, 0))],
        out_specs=pl.BlockSpec((bn, w.shape[1]), lambda i: (i, 0)),
        out_shape=jax.ShapeDtypeStruct((n, w.shape[1]), jnp.float32),
    )(x, w, b.reshape(1, -1))


def _update(p0, p1, h, wa, wb, b, h_out):
    aggr = p0[...] + p1[...]
    t = _mm(aggr, wa[...]) + _mm(h[...], wb[...]) + b[...]
    o = jnp.maximum(t, 0.0)
    nrm = jnp.sqrt(jnp.sum(o * o, axis=1, keepdims=True))
    o = o / jnp.maximum(nrm, 1e-12)
    h_out[...] = o
    return o


def _combine_m_body(p0, p1, h, wa, wb, b, wn, bn_, h_out, m_out):
    o = _update(p0, p1, h, wa, wb, b, h_out)
    m_out[...] = jnp.maximum(_mm(o, wn[...]) + bn_[...], 0.0)


def _combine_body(p0, p1, h, wa, wb, b, h_out):
    _update(p0, p1, h, wa, wb, b, h_out)


def _combine(p0, p1, h, w_agg, b_agg, w_next=None, b_next=None):
    n, bn = _N, 1000
    wa, wb = w_agg[:w_agg.shape[0] - _H], w_agg[w_agg.shape[0] - _H:]
    row = lambda i: (i, 0)
    full = lambda i: (0, 0)
    in_specs = [pl.BlockSpec((bn, _H), row), pl.BlockSpec((bn, _H), row),
                pl.BlockSpec((bn, h.shape[1]), row),
                pl.BlockSpec(wa.shape, full), pl.BlockSpec(wb.shape, full),
                pl.BlockSpec((1, _H), full)]
    args = [p0, p1, h, wa, wb, b_agg.reshape(1, -1)]
    out_spec = pl.BlockSpec((bn, _H), row)
    if w_next is None:
        return pl.pallas_call(
            _combine_body, grid=(n // bn,), in_specs=in_specs,
            out_specs=out_spec,
            out_shape=jax.ShapeDtypeStruct((n, _H), jnp.float32),
        )(*args)
    in_specs += [pl.BlockSpec(w_next.shape, full), pl.BlockSpec((1, _H), full)]
    args += [w_next, b_next.reshape(1, -1)]
    return pl.pallas_call(
        _combine_m_body, grid=(n // bn,), in_specs=in_specs,
        out_specs=(out_spec, out_spec),
        out_shape=(jax.ShapeDtypeStruct((n, _H), jnp.float32),
                   jax.ShapeDtypeStruct((n, _H), jnp.float32)),
    )(*args)


def _final_body(es, ed, w1a, w1b, b1, w2, b2, o_ref):
    z = _mm(es[...], w1a[...]) + _mm(ed[...], w1b[...]) + b1[...]
    z2 = _mm(z, w2[...]) + b2[...]
    m = jnp.max(z2, axis=1, keepdims=True)
    lse = m + jnp.log(jnp.sum(jnp.exp(z2 - m), axis=1, keepdims=True))
    o_ref[...] = z2 - lse


def _final(es, ed, w1, b1, w2, b2):
    bn = 1024
    row = lambda i: (i, 0)
    full = lambda i: (0, 0)
    return pl.pallas_call(
        _final_body,
        grid=(_Q // bn,),
        in_specs=[pl.BlockSpec((bn, _H), row), pl.BlockSpec((bn, _H), row),
                  pl.BlockSpec((_H, _H), full), pl.BlockSpec((_H, _H), full),
                  pl.BlockSpec((1, _H), full), pl.BlockSpec((_H, _O), full),
                  pl.BlockSpec((1, _O), full)],
        out_specs=pl.BlockSpec((bn, _O), row),
        out_shape=jax.ShapeDtypeStruct((_Q, _O), jnp.float32),
    )(es, ed, w1[:_H], w1[_H:], b1.reshape(1, -1), w2, b2.reshape(1, -1))


def kernel(x, edge_index, batch, eval_edges,
           lin_W0, lin_b0, agg_W0, agg_b0,
           lin_W1, lin_b1, agg_W1, agg_b1,
           mp_W1, mp_b1, mp_W2, mp_b2):
    ei = edge_index.reshape(2, _NW, _EPW)
    fill = jnp.array([0, _N], jnp.int32).reshape(2, 1, 1)
    ei = jnp.concatenate(
        [ei, jnp.broadcast_to(fill, (2, _NW, _EPWP - _EPW))], axis=2)
    ei = ei.reshape(2, _NW, _NCH, _CH)
    src = ei[0]
    dst = ei[1]
    zeros = jnp.zeros((_RB, _H), jnp.float32)

    m0 = _relu_lin(x, lin_W0, lin_b0)
    parts = _spmm(m0, src, dst, zeros)
    h1, m1 = _combine(parts[:_N], parts[_N:], x, agg_W0, agg_b0,
                      w_next=lin_W1, b_next=lin_b1)
    parts = _spmm(m1, src, dst, zeros)
    h2 = _combine(parts[:_N], parts[_N:], h1, agg_W1, agg_b1)

    eidx = jnp.concatenate([eval_edges[0], eval_edges[1]]).reshape(
        _NW, _QCH, 128)
    eo = _egather(h2, eidx)
    return _final(eo[:_Q], eo[_Q:], mp_W1, mp_b1, mp_W2, mp_b2)

# --- scband reference (transcript-rebuilt; emitter-appended) ---
"""Pipeline reference for scband-gnnstack-17635135717620 (READ-ONLY COPY).

The authoritative reference and input builder live on the scoring server;
editing this copy changes nothing except your own understanding.
"""

import jax, jax.numpy as jnp
import numpy as np

N = 10000
E = 320000
D = 128
H = 128
O = 2
Q = 4096


def setup_inputs(seed: int = 0) -> dict:
    key = jax.random.key(seed)
    ks = jax.random.split(key, 16)
    x = jax.random.normal(ks[0], (N, D), dtype=jnp.float32)
    edge_index = jax.random.randint(ks[1], (2, E), 0, N)
    batch = jnp.zeros((N,), dtype=jnp.int32)
    eval_edges = jax.random.randint(ks[2], (2, Q), 0, N)
    s = 0.05
    # GraphSage layer 0: lin (D->H), agg_lin (D+H -> H)
    lin_W0 = jax.random.normal(ks[3], (D, H), dtype=jnp.float32) * s
    lin_b0 = jnp.zeros((H,), dtype=jnp.float32)
    agg_W0 = jax.random.normal(ks[4], (D + H, H), dtype=jnp.float32) * s
    agg_b0 = jnp.zeros((H,), dtype=jnp.float32)
    # GraphSage layer 1: lin (H->H), agg_lin (2H -> H)
    lin_W1 = jax.random.normal(ks[5], (H, H), dtype=jnp.float32) * s
    lin_b1 = jnp.zeros((H,), dtype=jnp.float32)
    agg_W1 = jax.random.normal(ks[6], (2 * H, H), dtype=jnp.float32) * s
    agg_b1 = jnp.zeros((H,), dtype=jnp.float32)
    # post_mp: Linear(2H -> H), Linear(H -> O)
    mp_W1 = jax.random.normal(ks[7], (2 * H, H), dtype=jnp.float32) * s
    mp_b1 = jnp.zeros((H,), dtype=jnp.float32)
    mp_W2 = jax.random.normal(ks[8], (H, O), dtype=jnp.float32) * s
    mp_b2 = jnp.zeros((O,), dtype=jnp.float32)
    return {
        "x": x, "edge_index": edge_index, "batch": batch, "eval_edges": eval_edges,
        "lin_W0": lin_W0, "lin_b0": lin_b0, "agg_W0": agg_W0, "agg_b0": agg_b0,
        "lin_W1": lin_W1, "lin_b1": lin_b1, "agg_W1": agg_W1, "agg_b1": agg_b1,
        "mp_W1": mp_W1, "mp_b1": mp_b1, "mp_W2": mp_W2, "mp_b2": mp_b2,
    }


def _sage_layer(h, edge_index, W_lin, b_lin, W_agg, b_agg, num_nodes):
    src = edge_index[0]
    dst = edge_index[1]
    # message: relu(lin(x_j)) where x_j = x[src]
    x_j = jnp.take(h, src, axis=0)
    msg = jax.nn.relu(x_j @ W_lin + b_lin)
    # aggregate (aggr='add') at dst nodes
    aggr = jax.ops.segment_sum(msg, dst, num_segments=num_nodes)
    # update: relu(agg_lin(cat(aggr_out, x))), then L2 normalize rows
    out = jnp.concatenate([aggr, h], axis=1)
    out = jax.nn.relu(out @ W_agg + b_agg)
    norm = jnp.linalg.norm(out, axis=1, keepdims=True)
    out = out / jnp.maximum(norm, 1e-12)
    return out


def reference(x, edge_index, batch, eval_edges,
              lin_W0, lin_b0, agg_W0, agg_b0,
              lin_W1, lin_b1, agg_W1, agg_b1,
              mp_W1, mp_b1, mp_W2, mp_b2):
    num_nodes = x.shape[0]
    h = _sage_layer(x, edge_index, lin_W0, lin_b0, agg_W0, agg_b0, num_nodes)
    h = jax.nn.relu(h)  # dropout p=0.0 in eval -> identity
    h = _sage_layer(h, edge_index, lin_W1, lin_b1, agg_W1, agg_b1, num_nodes)
    h = jax.nn.relu(h)
    # edge_concats: cat(x[eval_edges[0][c]], x[eval_edges[1][c]]) for each eval edge
    e_src = jnp.take(h, eval_edges[0], axis=0)
    e_dst = jnp.take(h, eval_edges[1], axis=0)
    ec = jnp.concatenate([e_src, e_dst], axis=1)
    # post_mp: Linear -> Dropout(eval) -> Linear
    z = ec @ mp_W1 + mp_b1
    z = z @ mp_W2 + mp_b2
    return jax.nn.log_softmax(z, axis=1)

if __name__ == "__main__":
    import jax
    _d = setup_inputs()
    print(jax.jit(kernel)(*tuple(_d.values())))

</pallas_src>

<mosaic_0001>
#map = affine_map<(d0, d1) -> (0, 0)>
#map1 = affine_map<(d0, d1) -> (0, 0, 0)>
module attributes {stable_mosaic.version = 14 : i64} {
  func.func @_spmm(%arg0: i32, %arg1: i32, %arg2: memref<10000x128xf32, #tpu.memory_space<hbm>>, %arg3: memref<32x84x120xi32, #tpu.memory_space<hbm>>, %arg4: memref<32x84x120xi32, #tpu.memory_space<hbm>>, %arg5: memref<624x128xf32, #tpu.memory_space<hbm>>, %arg6: memref<20000x128xf32, #tpu.memory_space<hbm>>, %arg7: memref<84x120xi32, #tpu.memory_space<vmem>>, %arg8: memref<84x120xi32, #tpu.memory_space<vmem>>, %arg9: memref<120x128xf32, #tpu.memory_space<vmem>>, %arg10: memref<10016x128xf32, #tpu.memory_space<vmem_shared>>, %arg11: memref<!tpu.dma_semaphore, #tpu.memory_space<semaphore_mem>>) attributes {dimension_semantics = [#tpu.dimension_semantics<core_parallel>, #tpu.dimension_semantics<subcore_parallel>], iteration_bounds = array<i64: 2, 16>, scalar_prefetch = 0 : i64, scratch_operands = 5 : i64, tpu.core_type = #tpu.core_type<sc_vector_subcore>, window_params = [{transform_indices = #map}, {transform_indices = #map1}, {transform_indices = #map1}, {transform_indices = #map}, {transform_indices = #map}]} {
    %mul3A = arith.constant 16 : i32
    %mul3A_0 = arith.muli %arg0, %mul3A : i32
    %add3A = arith.addi %mul3A_0, %arg1 : i32
    "tpu.region"() ({
      %run_scoped3A = tpu.sem_alloc : memref<!tpu.dma_semaphore, #tpu.memory_space<semaphore_mem>>
      %dma_start3A = arith.constant 0 : i32
      %dma_start3A_26 = arith.constant 0 : i32
      %dma_start3A_27 = tpu.memref_slice %arg3[%add3A, %dma_start3A, %dma_start3A_26] : memref<32x84x120xi32, #tpu.memory_space<hbm>> -> memref<1x84x120xi32, #tpu.memory_space<hbm>>
      %dma_start3A_28 = tpu.memref_squeeze %dma_start3A_27 : memref<1x84x120xi32, #tpu.memory_space<hbm>> -> memref<84x120xi32, #tpu.memory_space<hbm>>
      %dma_start3A_29 = arith.constant 0 : i32
      %dma_start3A_30 = arith.constant 0 : i32
      %dma_start3A_31 = tpu.memref_slice %arg3[%add3A, %dma_start3A_29, %dma_start3A_30] : memref<32x84x120xi32, #tpu.memory_space<hbm>> -> memref<1x84x120xi32, #tpu.memory_space<hbm>>
      %dma_start3A_32 = tpu.memref_squeeze %dma_start3A_31 : memref<1x84x120xi32, #tpu.memory_space<hbm>> -> memref<84x120xi32, #tpu.memory_space<hbm>>
      tpu.enqueue_dma source(%dma_start3A_32 : memref<84x120xi32, #tpu.memory_space<hbm>>) target(%arg7 : memref<84x120xi32, #tpu.memory_space<vmem>>) target_semaphore(%run_scoped3A : memref<!tpu.dma_semaphore, #tpu.memory_space<semaphore_mem>>)
      %dma_wait3A = arith.constant 0 : i32
      %dma_wait3A_33 = arith.constant 0 : i32
      %dma_wait3A_34 = tpu.memref_slice %arg3[%add3A, %dma_wait3A, %dma_wait3A_33] : memref<32x84x120xi32, #tpu.memory_space<hbm>> -> memref<1x84x120xi32, #tpu.memory_space<hbm>>
      %dma_wait3A_35 = tpu.memref_squeeze %dma_wait3A_34 : memref<1x84x120xi32, #tpu.memory_space<hbm>> -> memref<84x120xi32, #tpu.memory_space<hbm>>
      %dma_wait3A_36 = arith.constant 0 : i32
      %dma_wait3A_37 = arith.constant 0 : i32
      %dma_wait3A_38 = tpu.memref_slice %arg3[%add3A, %dma_wait3A_36, %dma_wait3A_37] : memref<32x84x120xi32, #tpu.memory_space<hbm>> -> memref<1x84x120xi32, #tpu.memory_space<hbm>>
      %dma_wait3A_39 = tpu.memref_squeeze %dma_wait3A_38 : memref<1x84x120xi32, #tpu.memory_space<hbm>> -> memref<84x120xi32, #tpu.memory_space<hbm>>
      tpu.wait_dma2 semaphore(%run_scoped3A : memref<!tpu.dma_semaphore, #tpu.memory_space<semaphore_mem>>) src(%dma_wait3A_39 : memref<84x120xi32, #tpu.memory_space<hbm>>) dst(%arg7 : memref<84x120xi32, #tpu.memory_space<vmem>>)
      tpu.yield
    }) : () -> ()
    %mul3A_1 = arith.constant 16 : i32
    %mul3A_2 = arith.muli %arg0, %mul3A_1 : i32
    %add3A_3 = arith.addi %mul3A_2, %arg1 : i32
    "tpu.region"() ({
      %run_scoped3A = tpu.sem_alloc : memref<!tpu.dma_semaphore, #tpu.memory_space<semaphore_mem>>
      %dma_start3A = arith.constant 0 : i32
      %dma_start3A_26 = arith.constant 0 : i32
      %dma_start3A_27 = tpu.memref_slice %arg4[%add3A_3, %dma_start3A, %dma_start3A_26] : memref<32x84x120xi32, #tpu.memory_space<hbm>> -> memref<1x84x120xi32, #tpu.memory_space<hbm>>
      %dma_start3A_28 = tpu.memref_squeeze %dma_start3A_27 : memref<1x84x120xi32, #tpu.memory_space<hbm>> -> memref<84x120xi32, #tpu.memory_space<hbm>>
      %dma_start3A_29 = arith.constant 0 : i32
      %dma_start3A_30 = arith.constant 0 : i32
      %dma_start3A_31 = tpu.memref_slice %arg4[%add3A_3, %dma_start3A_29, %dma_start3A_30] : memref<32x84x120xi32, #tpu.memory_space<hbm>> -> memref<1x84x120xi32, #tpu.memory_space<hbm>>
      %dma_start3A_32 = tpu.memref_squeeze %dma_start3A_31 : memref<1x84x120xi32, #tpu.memory_space<hbm>> -> memref<84x120xi32, #tpu.memory_space<hbm>>
      tpu.enqueue_dma source(%dma_start3A_32 : memref<84x120xi32, #tpu.memory_space<hbm>>) target(%arg8 : memref<84x120xi32, #tpu.memory_space<vmem>>) target_semaphore(%run_scoped3A : memref<!tpu.dma_semaphore, #tpu.memory_space<semaphore_mem>>)
      %dma_wait3A = arith.constant 0 : i32
      %dma_wait3A_33 = arith.constant 0 : i32
      %dma_wait3A_34 = tpu.memref_slice %arg4[%add3A_3, %dma_wait3A, %dma_wait3A_33] : memref<32x84x120xi32, #tpu.memory_space<hbm>> -> memref<1x84x120xi32, #tpu.memory_space<hbm>>
      %dma_wait3A_35 = tpu.memref_squeeze %dma_wait3A_34 : memref<1x84x120xi32, #tpu.memory_space<hbm>> -> memref<84x120xi32, #tpu.memory_space<hbm>>
      %dma_wait3A_36 = arith.constant 0 : i32
      %dma_wait3A_37 = arith.constant 0 : i32
      %dma_wait3A_38 = tpu.memref_slice %arg4[%add3A_3, %dma_wait3A_36, %dma_wait3A_37] : memref<32x84x120xi32, #tpu.memory_space<hbm>> -> memref<1x84x120xi32, #tpu.memory_space<hbm>>
      %dma_wait3A_39 = tpu.memref_squeeze %dma_wait3A_38 : memref<1x84x120xi32, #tpu.memory_space<hbm>> -> memref<84x120xi32, #tpu.memory_space<hbm>>
      tpu.wait_dma2 semaphore(%run_scoped3A : memref<!tpu.dma_semaphore, #tpu.memory_space<semaphore_mem>>) src(%dma_wait3A_39 : memref<84x120xi32, #tpu.memory_space<hbm>>) dst(%arg8 : memref<84x120xi32, #tpu.memory_space<vmem>>)
      tpu.yield
    }) : () -> ()
    %mul3A_4 = arith.constant 624 : i32
    %mul3A_5 = arith.muli %arg1, %mul3A_4 : i32
    "tpu.region"() ({
      %run_scoped3A = tpu.sem_alloc : memref<!tpu.dma_semaphore, #tpu.memory_space<semaphore_mem>>
      %dma_start3A = arith.constant 0 : i32
      %dma_start3A_26 = tpu.memref_slice %arg10[%mul3A_5, %dma_start3A] : memref<10016x128xf32, #tpu.memory_space<vmem_shared>> -> memref<624x128xf32, #tpu.memory_space<vmem_shared>>
      %dma_start3A_27 = arith.constant 0 : i32
      %dma_start3A_28 = arith.constant 0 : i32
      %dma_start3A_29 = tpu.memref_slice %arg5[%dma_start3A_27, %dma_start3A_28] : memref<624x128xf32, #tpu.memory_space<hbm>> -> memref<624x128xf32, #tpu.memory_space<hbm>>
      tpu.enqueue_dma source(%dma_start3A_29 : memref<624x128xf32, #tpu.memory_space<hbm>>) target(%dma_start3A_26 : memref<624x128xf32, #tpu.memory_space<vmem_shared>>) target_semaphore(%run_scoped3A : memref<!tpu.dma_semaphore, #tpu.memory_space<semaphore_mem>>)
      %dma_wait3A = arith.constant 0 : i32
      %dma_wait3A_30 = tpu.memref_slice %arg10[%mul3A_5, %dma_wait3A] : memref<10016x128xf32, #tpu.memory_space<vmem_shared>> -> memref<624x128xf32, #tpu.memory_space<vmem_shared>>
      %dma_wait3A_31 = arith.constant 0 : i32
      %dma_wait3A_32 = arith.constant 0 : i32
      %dma_wait3A_33 = tpu.memref_slice %arg5[%dma_wait3A_31, %dma_wait3A_32] : memref<624x128xf32, #tpu.memory_space<hbm>> -> memref<624x128xf32, #tpu.memory_space<hbm>>
      tpu.wait_dma2 semaphore(%run_scoped3A : memref<!tpu.dma_semaphore, #tpu.memory_space<semaphore_mem>>) src(%dma_wait3A_33 : memref<624x128xf32, #tpu.memory_space<hbm>>) dst(%dma_wait3A_30 : memref<624x128xf32, #tpu.memory_space<vmem_shared>>)
      tpu.yield
    }) : () -> ()
    %eq3A = arith.constant 15 : i32
    %eq3A_6 = arith.cmpi eq, %arg1, %eq3A : i32
    %convert_element_type3A = arith.extui %eq3A_6 : i1 to i32
    %cond3A = arith.constant 0 : i32
    %cond3A_7 = arith.cmpi ne, %convert_element_type3A, %cond3A : i32
    scf.if %cond3A_7 {
      "tpu.region"() ({
        %run_scoped3A = tpu.sem_alloc : memref<!tpu.dma_semaphore, #tpu.memory_space<semaphore_mem>>
        %dma_start3A = arith.constant 9984 : i32
        %dma_start3A_26 = arith.constant 0 : i32
        %dma_start3A_27 = tpu.memref_slice %arg10[%dma_start3A, %dma_start3A_26] : memref<10016x128xf32, #tpu.memory_space<vmem_shared>> -> memref<16x128xf32, #tpu.memory_space<vmem_shared>>
        %dma_start3A_28 = arith.constant 0 : i32
        %dma_start3A_29 = arith.constant 0 : i32
        %dma_start3A_30 = tpu.memref_slice %arg5[%dma_start3A_28, %dma_start3A_29] : memref<624x128xf32, #tpu.memory_space<hbm>> -> memref<16x128xf32, #tpu.memory_space<hbm>>
        tpu.enqueue_dma source(%dma_start3A_30 : memref<16x128xf32, #tpu.memory_space<hbm>>) target(%dma_start3A_27 : memref<16x128xf32, #tpu.memory_space<vmem_shared>>) target_semaphore(%run_scoped3A : memref<!tpu.dma_semaphore, #tpu.memory_space<semaphore_mem>>)
        %dma_wait3A = arith.constant 9984 : i32
        %dma_wait3A_31 = arith.constant 0 : i32
        %dma_wait3A_32 = tpu.memref_slice %arg10[%dma_wait3A, %dma_wait3A_31] : memref<10016x128xf32, #tpu.memory_space<vmem_shared>> -> memref<16x128xf32, #tpu.memory_space<vmem_shared>>
        %dma_wait3A_33 = arith.constant 0 : i32
        %dma_wait3A_34 = arith.constant 0 : i32
        %dma_wait3A_35 = tpu.memref_slice %arg5[%dma_wait3A_33, %dma_wait3A_34] : memref<624x128xf32, #tpu.memory_space<hbm>> -> memref<16x128xf32, #tpu.memory_space<hbm>>
        tpu.wait_dma2 semaphore(%run_scoped3A : memref<!tpu.dma_semaphore, #tpu.memory_space<semaphore_mem>>) src(%dma_wait3A_35 : memref<16x128xf32, #tpu.memory_space<hbm>>) dst(%dma_wait3A_32 : memref<16x128xf32, #tpu.memory_space<vmem_shared>>)
        tpu.yield
      }) : () -> ()
    } else {
    }
    %barrier3A = arith.constant 0 : index
    tpu.barrier barrier_id(%barrier3A)
    %scan3A = arith.constant 0 : i32
    %scan3A_8 = arith.constant 0 : i32
    %scan3A_9 = arith.constant 84 : i32
    %scan3A_10 = arith.addi %scan3A_8, %scan3A_9 : i32
    %scan3A_11 = arith.constant 1 : i32
    scf.for %scan3A_26 = %scan3A_8 to %scan3A_10 step %scan3A_11  : i32 {
      %dma_start3A = arith.constant 0 : i32
      %dma_start3A_27 = tpu.memref_slice %arg7[%scan3A_26, %dma_start3A] : memref<84x120xi32, #tpu.memory_space<vmem>> -> memref<1x120xi32, #tpu.memory_space<vmem>>
      %dma_start3A_28 = tpu.memref_squeeze %dma_start3A_27 : memref<1x120xi32, #tpu.memory_space<vmem>> -> memref<120xi32, #tpu.memory_space<vmem>>
      %dma_start3A_29 = arith.constant 0 : i32
      %dma_start3A_30 = arith.constant 0 : i32
      %dma_start3A_31 = tpu.memref_slice %arg2[%dma_start3A_29, %dma_start3A_30] : memref<10000x128xf32, #tpu.memory_space<hbm>> -> memref<10000x128xf32, #tpu.memory_space<hbm>>
      tpu.enqueue_indirect_dma source(%dma_start3A_31 : memref<10000x128xf32, #tpu.memory_space<hbm>>) target(%arg9 : memref<120x128xf32, #tpu.memory_space<vmem>>) offsets(%dma_start3A_28 : memref<120xi32, #tpu.memory_space<vmem>>) semaphore(%arg11 : memref<!tpu.dma_semaphore, #tpu.memory_space<semaphore_mem>>)
      %dma_wait3A = arith.constant 0 : i32
      %dma_wait3A_32 = tpu.memref_slice %arg7[%scan3A_26, %dma_wait3A] : memref<84x120xi32, #tpu.memory_space<vmem>> -> memref<1x120xi32, #tpu.memory_space<vmem>>
      %dma_wait3A_33 = tpu.memref_squeeze %dma_wait3A_32 : memref<1x120xi32, #tpu.memory_space<vmem>> -> memref<120xi32, #tpu.memory_space<vmem>>
      %dma_wait3A_34 = arith.constant 0 : i32
      %dma_wait3A_35 = arith.constant 0 : i32
      %dma_wait3A_36 = tpu.memref_slice %arg2[%dma_wait3A_34, %dma_wait3A_35] : memref<10000x128xf32, #tpu.memory_space<hbm>> -> memref<10000x128xf32, #tpu.memory_space<hbm>>
      tpu.wait_indirect_dma semaphore(%arg11 : memref<!tpu.dma_semaphore, #tpu.memory_space<semaphore_mem>>) src(%dma_wait3A_36 : memref<10000x128xf32, #tpu.memory_space<hbm>>) dst(%arg9 : memref<120x128xf32, #tpu.memory_space<vmem>>)
      "tpu.region"() ({
        %run_scoped3A = tpu.sem_alloc : memref<!tpu.dma_semaphore, #tpu.memory_space<semaphore_mem>>
        %dma_start3A_37 = arith.constant 0 : i32
        %dma_start3A_38 = tpu.memref_slice %arg8[%scan3A_26, %dma_start3A_37] : memref<84x120xi32, #tpu.memory_space<vmem>> -> memref<1x120xi32, #tpu.memory_space<vmem>>
        %dma_start3A_39 = tpu.memref_squeeze %dma_start3A_38 : memref<1x120xi32, #tpu.memory_space<vmem>> -> memref<120xi32, #tpu.memory_space<vmem>>
        %dma_start3A_40 = arith.constant 0 : i32
        %dma_start3A_41 = arith.constant 0 : i32
        %dma_start3A_42 = tpu.memref_slice %arg10[%dma_start3A_40, %dma_start3A_41] : memref<10016x128xf32, #tpu.memory_space<vmem_shared>> -> memref<10016x128xf32, #tpu.memory_space<vmem_shared>>
        tpu.enqueue_indirect_dma source(%arg9 : memref<120x128xf32, #tpu.memory_space<vmem>>) target(%dma_start3A_42 : memref<10016x128xf32, #tpu.memory_space<vmem_shared>>) offsets(%dma_start3A_39 : memref<120xi32, #tpu.memory_space<vmem>>) semaphore(%run_scoped3A : memref<!tpu.dma_semaphore, #tpu.memory_space<semaphore_mem>>) {add = true}
        %dma_wait3A_43 = arith.constant 0 : i32
        %dma_wait3A_44 = tpu.memref_slice %arg8[%scan3A_26, %dma_wait3A_43] : memref<84x120xi32, #tpu.memory_space<vmem>> -> memref<1x120xi32, #tpu.memory_space<vmem>>
        %dma_wait3A_45 = tpu.memref_squeeze %dma_wait3A_44 : memref<1x120xi32, #tpu.memory_space<vmem>> -> memref<120xi32, #tpu.memory_space<vmem>>
        %dma_wait3A_46 = arith.constant 0 : i32
        %dma_wait3A_47 = arith.constant 0 : i32
        %dma_wait3A_48 = tpu.memref_slice %arg10[%dma_wait3A_46, %dma_wait3A_47] : memref<10016x128xf32, #tpu.memory_space<vmem_shared>> -> memref<10016x128xf32, #tpu.memory_space<vmem_shared>>
        tpu.wait_indirect_dma semaphore(%run_scoped3A : memref<!tpu.dma_semaphore, #tpu.memory_space<semaphore_mem>>) src(%arg9 : memref<120x128xf32, #tpu.memory_space<vmem>>) dst(%dma_wait3A_48 : memref<10016x128xf32, #tpu.memory_space<vmem_shared>>)
        tpu.yield
      }) : () -> ()
    }
    %scan3A_12 = arith.constant 84 : i32
    %barrier3A_13 = arith.constant 0 : index
    tpu.barrier barrier_id(%barrier3A_13)
    %mul3A_14 = arith.constant 624 : i32
    %mul3A_15 = arith.muli %arg1, %mul3A_14 : i32
    %mul3A_16 = arith.constant 10000 : i32
    %mul3A_17 = arith.muli %arg0, %mul3A_16 : i32
    %mul3A_18 = arith.constant 624 : i32
    %mul3A_19 = arith.muli %arg1, %mul3A_18 : i32
    %add3A_20 = arith.addi %mul3A_17, %mul3A_19 : i32
    "tpu.region"() ({
      %run_scoped3A = tpu.sem_alloc : memref<!tpu.dma_semaphore, #tpu.memory_space<semaphore_mem>>
      %dma_start3A = arith.constant 0 : i32
      %dma_start3A_26 = tpu.memref_slice %arg6[%add3A_20, %dma_start3A] : memref<20000x128xf32, #tpu.memory_space<hbm>> -> memref<624x128xf32, #tpu.memory_space<hbm>>
      %dma_start3A_27 = arith.constant 0 : i32
      %dma_start3A_28 = tpu.memref_slice %arg10[%mul3A_15, %dma_start3A_27] : memref<10016x128xf32, #tpu.memory_space<vmem_shared>> -> memref<624x128xf32, #tpu.memory_space<vmem_shared>>
      tpu.enqueue_dma source(%dma_start3A_28 : memref<624x128xf32, #tpu.memory_space<vmem_shared>>) target(%dma_start3A_26 : memref<624x128xf32, #tpu.memory_space<hbm>>) target_semaphore(%run_scoped3A : memref<!tpu.dma_semaphore, #tpu.memory_space<semaphore_mem>>)
      %dma_wait3A = arith.constant 0 : i32
      %dma_wait3A_29 = tpu.memref_slice %arg6[%add3A_20, %dma_wait3A] : memref<20000x128xf32, #tpu.memory_space<hbm>> -> memref<624x128xf32, #tpu.memory_space<hbm>>
      %dma_wait3A_30 = arith.constant 0 : i32
      %dma_wait3A_31 = tpu.memref_slice %arg10[%mul3A_15, %dma_wait3A_30] : memref<10016x128xf32, #tpu.memory_space<vmem_shared>> -> memref<624x128xf32, #tpu.memory_space<vmem_shared>>
      tpu.wait_dma2 semaphore(%run_scoped3A : memref<!tpu.dma_semaphore, #tpu.memory_space<semaphore_mem>>) src(%dma_wait3A_31 : memref<624x128xf32, #tpu.memory_space<vmem_shared>>) dst(%dma_wait3A_29 : memref<624x128xf32, #tpu.memory_space<hbm>>)
      tpu.yield
    }) : () -> ()
    %eq3A_21 = arith.constant 15 : i32
    %eq3A_22 = arith.cmpi eq, %arg1, %eq3A_21 : i32
    %convert_element_type3A_23 = arith.extui %eq3A_22 : i1 to i32
    %cond3A_24 = arith.constant 0 : i32
    %cond3A_25 = arith.cmpi ne, %convert_element_type3A_23, %cond3A_24 : i32
    scf.if %cond3A_25 {
      %mul3A_26 = arith.constant 10000 : i32
      %mul3A_27 = arith.muli %arg0, %mul3A_26 : i32
      %add3A_28 = arith.constant 9984 : i32
      %add3A_29 = arith.addi %mul3A_27, %add3A_28 : i32
      "tpu.region"() ({
        %run_scoped3A = tpu.sem_alloc : memref<!tpu.dma_semaphore, #tpu.memory_space<semaphore_mem>>
        %dma_start3A = arith.constant 0 : i32
        %dma_start3A_30 = tpu.memref_slice %arg6[%add3A_29, %dma_start3A] : memref<20000x128xf32, #tpu.memory_space<hbm>> -> memref<16x128xf32, #tpu.memory_space<hbm>>
        %dma_start3A_31 = arith.constant 9984 : i32
        %dma_start3A_32 = arith.constant 0 : i32
        %dma_start3A_33 = tpu.memref_slice %arg10[%dma_start3A_31, %dma_start3A_32] : memref<10016x128xf32, #tpu.memory_space<vmem_shared>> -> memref<16x128xf32, #tpu.memory_space<vmem_shared>>
        tpu.enqueue_dma source(%dma_start3A_33 : memref<16x128xf32, #tpu.memory_space<vmem_shared>>) target(%dma_start3A_30 : memref<16x128xf32, #tpu.memory_space<hbm>>) target_semaphore(%run_scoped3A : memref<!tpu.dma_semaphore, #tpu.memory_space<semaphore_mem>>)
        %dma_wait3A = arith.constant 0 : i32
        %dma_wait3A_34 = tpu.memref_slice %arg6[%add3A_29, %dma_wait3A] : memref<20000x128xf32, #tpu.memory_space<hbm>> -> memref<16x128xf32, #tpu.memory_space<hbm>>
        %dma_wait3A_35 = arith.constant 9984 : i32
        %dma_wait3A_36 = arith.constant 0 : i32
        %dma_wait3A_37 = tpu.memref_slice %arg10[%dma_wait3A_35, %dma_wait3A_36] : memref<10016x128xf32, #tpu.memory_space<vmem_shared>> -> memref<16x128xf32, #tpu.memory_space<vmem_shared>>
        tpu.wait_dma2 semaphore(%run_scoped3A : memref<!tpu.dma_semaphore, #tpu.memory_space<semaphore_mem>>) src(%dma_wait3A_37 : memref<16x128xf32, #tpu.memory_space<vmem_shared>>) dst(%dma_wait3A_34 : memref<16x128xf32, #tpu.memory_space<hbm>>)
        tpu.yield
      }) : () -> ()
    } else {
    }
    return
  }
}

#map = affine_map<(d0, d1) -> (0, 0)>
#map1 = affine_map<(d0, d1) -> (0, 0, 0)>
module attributes {stable_mosaic.version = 14 : i64} {
  func.func @_spmm(%arg0: i32, %arg1: i32, %arg2: memref<10000x128xf32, #tpu.memory_space<hbm>>, %arg3: memref<32x84x120xi32, #tpu.memory_space<hbm>>, %arg4: memref<32x84x120xi32, #tpu.memory_space<hbm>>, %arg5: memref<624x128xf32, #tpu.memory_space<hbm>>, %arg6: memref<20000x128xf32, #tpu.memory_space<hbm>>, %arg7: memref<84x120xi32, #tpu.memory_space<vmem>>, %arg8: memref<84x120xi32, #tpu.memory_space<vmem>>, %arg9: memref<120x128xf32, #tpu.memory_space<vmem>>, %arg10: memref<10016x128xf32, #tpu.memory_space<vmem_shared>>, %arg11: memref<!tpu.dma_semaphore, #tpu.memory_space<semaphore_mem>>) attributes {dimension_semantics = [#tpu.dimension_semantics<core_parallel>, #tpu.dimension_semantics<subcore_parallel>], iteration_bounds = array<i64: 2, 16>, scalar_prefetch = 0 : i64, scratch_operands = 5 : i64, tpu.core_type = #tpu.core_type<sc_vector_subcore>, window_params = [{transform_indices = #map}, {transform_indices = #map1}, {transform_indices = #map1}, {transform_indices = #map}, {transform_indices = #map}]} {
    %mul3A = arith.constant 16 : i32
    %mul3A_0 = arith.muli %arg0, %mul3A : i32
    %add3A = arith.addi %mul3A_0, %arg1 : i32
    "tpu.region"() ({
      %run_scoped3A = tpu.sem_alloc : memref<!tpu.dma_semaphore, #tpu.memory_space<semaphore_mem>>
      %dma_start3A = arith.constant 0 : i32
      %dma_start3A_26 = arith.constant 0 : i32
      %dma_start3A_27 = tpu.memref_slice %arg3[%add3A, %dma_start3A, %dma_start3A_26] : memref<32x84x120xi32, #tpu.memory_space<hbm>> -> memref<1x84x120xi32, #tpu.memory_space<hbm>>
      %dma_start3A_28 = tpu.memref_squeeze %dma_start3A_27 : memref<1x84x120xi32, #tpu.memory_space<hbm>> -> memref<84x120xi32, #tpu.memory_space<hbm>>
      %dma_start3A_29 = arith.constant 0 : i32
      %dma_start3A_30 = arith.constant 0 : i32
      %dma_start3A_31 = tpu.memref_slice %arg3[%add3A, %dma_start3A_29, %dma_start3A_30] : memref<32x84x120xi32, #tpu.memory_space<hbm>> -> memref<1x84x120xi32, #tpu.memory_space<hbm>>
      %dma_start3A_32 = tpu.memref_squeeze %dma_start3A_31 : memref<1x84x120xi32, #tpu.memory_space<hbm>> -> memref<84x120xi32, #tpu.memory_space<hbm>>
      tpu.enqueue_dma source(%dma_start3A_32 : memref<84x120xi32, #tpu.memory_space<hbm>>) target(%arg7 : memref<84x120xi32, #tpu.memory_space<vmem>>) target_semaphore(%run_scoped3A : memref<!tpu.dma_semaphore, #tpu.memory_space<semaphore_mem>>)
      %dma_wait3A = arith.constant 0 : i32
      %dma_wait3A_33 = arith.constant 0 : i32
      %dma_wait3A_34 = tpu.memref_slice %arg3[%add3A, %dma_wait3A, %dma_wait3A_33] : memref<32x84x120xi32, #tpu.memory_space<hbm>> -> memref<1x84x120xi32, #tpu.memory_space<hbm>>
      %dma_wait3A_35 = tpu.memref_squeeze %dma_wait3A_34 : memref<1x84x120xi32, #tpu.memory_space<hbm>> -> memref<84x120xi32, #tpu.memory_space<hbm>>
      %dma_wait3A_36 = arith.constant 0 : i32
      %dma_wait3A_37 = arith.constant 0 : i32
      %dma_wait3A_38 = tpu.memref_slice %arg3[%add3A, %dma_wait3A_36, %dma_wait3A_37] : memref<32x84x120xi32, #tpu.memory_space<hbm>> -> memref<1x84x120xi32, #tpu.memory_space<hbm>>
      %dma_wait3A_39 = tpu.memref_squeeze %dma_wait3A_38 : memref<1x84x120xi32, #tpu.memory_space<hbm>> -> memref<84x120xi32, #tpu.memory_space<hbm>>
      tpu.wait_dma2 semaphore(%run_scoped3A : memref<!tpu.dma_semaphore, #tpu.memory_space<semaphore_mem>>) src(%dma_wait3A_39 : memref<84x120xi32, #tpu.memory_space<hbm>>) dst(%arg7 : memref<84x120xi32, #tpu.memory_space<vmem>>)
      tpu.yield
    }) : () -> ()
    %mul3A_1 = arith.constant 16 : i32
    %mul3A_2 = arith.muli %arg0, %mul3A_1 : i32
    %add3A_3 = arith.addi %mul3A_2, %arg1 : i32
    "tpu.region"() ({
      %run_scoped3A = tpu.sem_alloc : memref<!tpu.dma_semaphore, #tpu.memory_space<semaphore_mem>>
      %dma_start3A = arith.constant 0 : i32
      %dma_start3A_26 = arith.constant 0 : i32
      %dma_start3A_27 = tpu.memref_slice %arg4[%add3A_3, %dma_start3A, %dma_start3A_26] : memref<32x84x120xi32, #tpu.memory_space<hbm>> -> memref<1x84x120xi32, #tpu.memory_space<hbm>>
      %dma_start3A_28 = tpu.memref_squeeze %dma_start3A_27 : memref<1x84x120xi32, #tpu.memory_space<hbm>> -> memref<84x120xi32, #tpu.memory_space<hbm>>
      %dma_start3A_29 = arith.constant 0 : i32
      %dma_start3A_30 = arith.constant 0 : i32
      %dma_start3A_31 = tpu.memref_slice %arg4[%add3A_3, %dma_start3A_29, %dma_start3A_30] : memref<32x84x120xi32, #tpu.memory_space<hbm>> -> memref<1x84x120xi32, #tpu.memory_space<hbm>>
      %dma_start3A_32 = tpu.memref_squeeze %dma_start3A_31 : memref<1x84x120xi32, #tpu.memory_space<hbm>> -> memref<84x120xi32, #tpu.memory_space<hbm>>
      tpu.enqueue_dma source(%dma_start3A_32 : memref<84x120xi32, #tpu.memory_space<hbm>>) target(%arg8 : memref<84x120xi32, #tpu.memory_space<vmem>>) target_semaphore(%run_scoped3A : memref<!tpu.dma_semaphore, #tpu.memory_space<semaphore_mem>>)
      %dma_wait3A = arith.constant 0 : i32
      %dma_wait3A_33 = arith.constant 0 : i32
      %dma_wait3A_34 = tpu.memref_slice %arg4[%add3A_3, %dma_wait3A, %dma_wait3A_33] : memref<32x84x120xi32, #tpu.memory_space<hbm>> -> memref<1x84x120xi32, #tpu.memory_space<hbm>>
      %dma_wait3A_35 = tpu.memref_squeeze %dma_wait3A_34 : memref<1x84x120xi32, #tpu.memory_space<hbm>> -> memref<84x120xi32, #tpu.memory_space<hbm>>
      %dma_wait3A_36 = arith.constant 0 : i32
      %dma_wait3A_37 = arith.constant 0 : i32
      %dma_wait3A_38 = tpu.memref_slice %arg4[%add3A_3, %dma_wait3A_36, %dma_wait3A_37] : memref<32x84x120xi32, #tpu.memory_space<hbm>> -> memref<1x84x120xi32, #tpu.memory_space<hbm>>
      %dma_wait3A_39 = tpu.memref_squeeze %dma_wait3A_38 : memref<1x84x120xi32, #tpu.memory_space<hbm>> -> memref<84x120xi32, #tpu.memory_space<hbm>>
      tpu.wait_dma2 semaphore(%run_scoped3A : memref<!tpu.dma_semaphore, #tpu.memory_space<semaphore_mem>>) src(%dma_wait3A_39 : memref<84x120xi32, #tpu.memory_space<hbm>>) dst(%arg8 : memref<84x120xi32, #tpu.memory_space<vmem>>)
      tpu.yield
    }) : () -> ()
    %mul3A_4 = arith.constant 624 : i32
    %mul3A_5 = arith.muli %arg1, %mul3A_4 : i32
    "tpu.region"() ({
      %run_scoped3A = tpu.sem_alloc : memref<!tpu.dma_semaphore, #tpu.memory_space<semaphore_mem>>
      %dma_start3A = arith.constant 0 : i32
      %dma_start3A_26 = tpu.memref_slice %arg10[%mul3A_5, %dma_start3A] : memref<10016x128xf32, #tpu.memory_space<vmem_shared>> -> memref<624x128xf32, #tpu.memory_space<vmem_shared>>
      %dma_start3A_27 = arith.constant 0 : i32
      %dma_start3A_28 = arith.constant 0 : i32
      %dma_start3A_29 = tpu.memref_slice %arg5[%dma_start3A_27, %dma_start3A_28] : memref<624x128xf32, #tpu.memory_space<hbm>> -> memref<624x128xf32, #tpu.memory_space<hbm>>
      tpu.enqueue_dma source(%dma_start3A_29 : memref<624x128xf32, #tpu.memory_space<hbm>>) target(%dma_start3A_26 : memref<624x128xf32, #tpu.memory_space<vmem_shared>>) target_semaphore(%run_scoped3A : memref<!tpu.dma_semaphore, #tpu.memory_space<semaphore_mem>>)
      %dma_wait3A = arith.constant 0 : i32
      %dma_wait3A_30 = tpu.memref_slice %arg10[%mul3A_5, %dma_wait3A] : memref<10016x128xf32, #tpu.memory_space<vmem_shared>> -> memref<624x128xf32, #tpu.memory_space<vmem_shared>>
      %dma_wait3A_31 = arith.constant 0 : i32
      %dma_wait3A_32 = arith.constant 0 : i32
      %dma_wait3A_33 = tpu.memref_slice %arg5[%dma_wait3A_31, %dma_wait3A_32] : memref<624x128xf32, #tpu.memory_space<hbm>> -> memref<624x128xf32, #tpu.memory_space<hbm>>
      tpu.wait_dma2 semaphore(%run_scoped3A : memref<!tpu.dma_semaphore, #tpu.memory_space<semaphore_mem>>) src(%dma_wait3A_33 : memref<624x128xf32, #tpu.memory_space<hbm>>) dst(%dma_wait3A_30 : memref<624x128xf32, #tpu.memory_space<vmem_shared>>)
      tpu.yield
    }) : () -> ()
    %eq3A = arith.constant 15 : i32
    %eq3A_6 = arith.cmpi eq, %arg1, %eq3A : i32
    %convert_element_type3A = arith.extui %eq3A_6 : i1 to i32
    %cond3A = arith.constant 0 : i32
    %cond3A_7 = arith.cmpi ne, %convert_element_type3A, %cond3A : i32
    scf.if %cond3A_7 {
      "tpu.region"() ({
        %run_scoped3A = tpu.sem_alloc : memref<!tpu.dma_semaphore, #tpu.memory_space<semaphore_mem>>
        %dma_start3A = arith.constant 9984 : i32
        %dma_start3A_26 = arith.constant 0 : i32
        %dma_start3A_27 = tpu.memref_slice %arg10[%dma_start3A, %dma_start3A_26] : memref<10016x128xf32, #tpu.memory_space<vmem_shared>> -> memref<16x128xf32, #tpu.memory_space<vmem_shared>>
        %dma_start3A_28 = arith.constant 0 : i32
        %dma_start3A_29 = arith.constant 0 : i32
        %dma_start3A_30 = tpu.memref_slice %arg5[%dma_start3A_28, %dma_start3A_29] : memref<624x128xf32, #tpu.memory_space<hbm>> -> memref<16x128xf32, #tpu.memory_space<hbm>>
        tpu.enqueue_dma source(%dma_start3A_30 : memref<16x128xf32, #tpu.memory_space<hbm>>) target(%dma_start3A_27 : memref<16x128xf32, #tpu.memory_space<vmem_shared>>) target_semaphore(%run_scoped3A : memref<!tpu.dma_semaphore, #tpu.memory_space<semaphore_mem>>)
        %dma_wait3A = arith.constant 9984 : i32
        %dma_wait3A_31 = arith.constant 0 : i32
        %dma_wait3A_32 = tpu.memref_slice %arg10[%dma_wait3A, %dma_wait3A_31] : memref<10016x128xf32, #tpu.memory_space<vmem_shared>> -> memref<16x128xf32, #tpu.memory_space<vmem_shared>>
        %dma_wait3A_33 = arith.constant 0 : i32
        %dma_wait3A_34 = arith.constant 0 : i32
        %dma_wait3A_35 = tpu.memref_slice %arg5[%dma_wait3A_33, %dma_wait3A_34] : memref<624x128xf32, #tpu.memory_space<hbm>> -> memref<16x128xf32, #tpu.memory_space<hbm>>
        tpu.wait_dma2 semaphore(%run_scoped3A : memref<!tpu.dma_semaphore, #tpu.memory_space<semaphore_mem>>) src(%dma_wait3A_35 : memref<16x128xf32, #tpu.memory_space<hbm>>) dst(%dma_wait3A_32 : memref<16x128xf32, #tpu.memory_space<vmem_shared>>)
        tpu.yield
      }) : () -> ()
    } else {
    }
    %barrier3A = arith.constant 0 : index
    tpu.barrier barrier_id(%barrier3A)
    %scan3A = arith.constant 0 : i32
    %scan3A_8 = arith.constant 0 : i32
    %scan3A_9 = arith.constant 84 : i32
    %scan3A_10 = arith.addi %scan3A_8, %scan3A_9 : i32
    %scan3A_11 = arith.constant 1 : i32
    scf.for %scan3A_26 = %scan3A_8 to %scan3A_10 step %scan3A_11  : i32 {
      %dma_start3A = arith.constant 0 : i32
      %dma_start3A_27 = tpu.memref_slice %arg7[%scan3A_26, %dma_start3A] : memref<84x120xi32, #tpu.memory_space<vmem>> -> memref<1x120xi32, #tpu.memory_space<vmem>>
      %dma_start3A_28 = tpu.memref_squeeze %dma_start3A_27 : memref<1x120xi32, #tpu.memory_space<vmem>> -> memref<120xi32, #tpu.memory_space<vmem>>
      %dma_start3A_29 = arith.constant 0 : i32
      %dma_start3A_30 = arith.constant 0 : i32
      %dma_start3A_31 = tpu.memref_slice %arg2[%dma_start3A_29, %dma_start3A_30] : memref<10000x128xf32, #tpu.memory_space<hbm>> -> memref<10000x128xf32, #tpu.memory_space<hbm>>
      tpu.enqueue_indirect_dma source(%dma_start3A_31 : memref<10000x128xf32, #tpu.memory_space<hbm>>) target(%arg9 : memref<120x128xf32, #tpu.memory_space<vmem>>) offsets(%dma_start3A_28 : memref<120xi32, #tpu.memory_space<vmem>>) semaphore(%arg11 : memref<!tpu.dma_semaphore, #tpu.memory_space<semaphore_mem>>)
      %dma_wait3A = arith.constant 0 : i32
      %dma_wait3A_32 = tpu.memref_slice %arg7[%scan3A_26, %dma_wait3A] : memref<84x120xi32, #tpu.memory_space<vmem>> -> memref<1x120xi32, #tpu.memory_space<vmem>>
      %dma_wait3A_33 = tpu.memref_squeeze %dma_wait3A_32 : memref<1x120xi32, #tpu.memory_space<vmem>> -> memref<120xi32, #tpu.memory_space<vmem>>
      %dma_wait3A_34 = arith.constant 0 : i32
      %dma_wait3A_35 = arith.constant 0 : i32
      %dma_wait3A_36 = tpu.memref_slice %arg2[%dma_wait3A_34, %dma_wait3A_35] : memref<10000x128xf32, #tpu.memory_space<hbm>> -> memref<10000x128xf32, #tpu.memory_space<hbm>>
      tpu.wait_indirect_dma semaphore(%arg11 : memref<!tpu.dma_semaphore, #tpu.memory_space<semaphore_mem>>) src(%dma_wait3A_36 : memref<10000x128xf32, #tpu.memory_space<hbm>>) dst(%arg9 : memref<120x128xf32, #tpu.memory_space<vmem>>)
      "tpu.region"() ({
        %run_scoped3A = tpu.sem_alloc : memref<!tpu.dma_semaphore, #tpu.memory_space<semaphore_mem>>
        %dma_start3A_37 = arith.constant 0 : i32
        %dma_start3A_38 = tpu.memref_slice %arg8[%scan3A_26, %dma_start3A_37] : memref<84x120xi32, #tpu.memory_space<vmem>> -> memref<1x120xi32, #tpu.memory_space<vmem>>
        %dma_start3A_39 = tpu.memref_squeeze %dma_start3A_38 : memref<1x120xi32, #tpu.memory_space<vmem>> -> memref<120xi32, #tpu.memory_space<vmem>>
        %dma_start3A_40 = arith.constant 0 : i32
        %dma_start3A_41 = arith.constant 0 : i32
        %dma_start3A_42 = tpu.memref_slice %arg10[%dma_start3A_40, %dma_start3A_41] : memref<10016x128xf32, #tpu.memory_space<vmem_shared>> -> memref<10016x128xf32, #tpu.memory_space<vmem_shared>>
        tpu.enqueue_indirect_dma source(%arg9 : memref<120x128xf32, #tpu.memory_space<vmem>>) target(%dma_start3A_42 : memref<10016x128xf32, #tpu.memory_space<vmem_shared>>) offsets(%dma_start3A_39 : memref<120xi32, #tpu.memory_space<vmem>>) semaphore(%run_scoped3A : memref<!tpu.dma_semaphore, #tpu.memory_space<semaphore_mem>>) {add = true}
        %dma_wait3A_43 = arith.constant 0 : i32
        %dma_wait3A_44 = tpu.memref_slice %arg8[%scan3A_26, %dma_wait3A_43] : memref<84x120xi32, #tpu.memory_space<vmem>> -> memref<1x120xi32, #tpu.memory_space<vmem>>
        %dma_wait3A_45 = tpu.memref_squeeze %dma_wait3A_44 : memref<1x120xi32, #tpu.memory_space<vmem>> -> memref<120xi32, #tpu.memory_space<vmem>>
        %dma_wait3A_46 = arith.constant 0 : i32
        %dma_wait3A_47 = arith.constant 0 : i32
        %dma_wait3A_48 = tpu.memref_slice %arg10[%dma_wait3A_46, %dma_wait3A_47] : memref<10016x128xf32, #tpu.memory_space<vmem_shared>> -> memref<10016x128xf32, #tpu.memory_space<vmem_shared>>
        tpu.wait_indirect_dma semaphore(%run_scoped3A : memref<!tpu.dma_semaphore, #tpu.memory_space<semaphore_mem>>) src(%arg9 : memref<120x128xf32, #tpu.memory_space<vmem>>) dst(%dma_wait3A_48 : memref<10016x128xf32, #tpu.memory_space<vmem_shared>>)
        tpu.yield
      }) : () -> ()
    }
    %scan3A_12 = arith.constant 84 : i32
    %barrier3A_13 = arith.constant 0 : index
    tpu.barrier barrier_id(%barrier3A_13)
    %mul3A_14 = arith.constant 624 : i32
    %mul3A_15 = arith.muli %arg1, %mul3A_14 : i32
    %mul3A_16 = arith.constant 10000 : i32
    %mul3A_17 = arith.muli %arg0, %mul3A_16 : i32
    %mul3A_18 = arith.constant 624 : i32
    %mul3A_19 = arith.muli %arg1, %mul3A_18 : i32
    %add3A_20 = arith.addi %mul3A_17, %mul3A_19 : i32
    "tpu.region"() ({
      %run_scoped3A = tpu.sem_alloc : memref<!tpu.dma_semaphore, #tpu.memory_space<semaphore_mem>>
      %dma_start3A = arith.constant 0 : i32
      %dma_start3A_26 = tpu.memref_slice %arg6[%add3A_20, %dma_start3A] : memref<20000x128xf32, #tpu.memory_space<hbm>> -> memref<624x128xf32, #tpu.memory_space<hbm>>
      %dma_start3A_27 = arith.constant 0 : i32
      %dma_start3A_28 = tpu.memref_slice %arg10[%mul3A_15, %dma_start3A_27] : memref<10016x128xf32, #tpu.memory_space<vmem_shared>> -> memref<624x128xf32, #tpu.memory_space<vmem_shared>>
      tpu.enqueue_dma source(%dma_start3A_28 : memref<624x128xf32, #tpu.memory_space<vmem_shared>>) target(%dma_start3A_26 : memref<624x128xf32, #tpu.memory_space<hbm>>) target_semaphore(%run_scoped3A : memref<!tpu.dma_semaphore, #tpu.memory_space<semaphore_mem>>)
      %dma_wait3A = arith.constant 0 : i32
      %dma_wait3A_29 = tpu.memref_slice %arg6[%add3A_20, %dma_wait3A] : memref<20000x128xf32, #tpu.memory_space<hbm>> -> memref<624x128xf32, #tpu.memory_space<hbm>>
      %dma_wait3A_30 = arith.constant 0 : i32
      %dma_wait3A_31 = tpu.memref_slice %arg10[%mul3A_15, %dma_wait3A_30] : memref<10016x128xf32, #tpu.memory_space<vmem_shared>> -> memref<624x128xf32, #tpu.memory_space<vmem_shared>>
      tpu.wait_dma2 semaphore(%run_scoped3A : memref<!tpu.dma_semaphore, #tpu.memory_space<semaphore_mem>>) src(%dma_wait3A_31 : memref<624x128xf32, #tpu.memory_space<vmem_shared>>) dst(%dma_wait3A_29 : memref<624x128xf32, #tpu.memory_space<hbm>>)
      tpu.yield
    }) : () -> ()
    %eq3A_21 = arith.constant 15 : i32
    %eq3A_22 = arith.cmpi eq, %arg1, %eq3A_21 : i32
    %convert_element_type3A_23 = arith.extui %eq3A_22 : i1 to i32
    %cond3A_24 = arith.constant 0 : i32
    %cond3A_25 = arith.cmpi ne, %convert_element_type3A_23, %cond3A_24 : i32
    scf.if %cond3A_25 {
      %mul3A_26 = arith.constant 10000 : i32
      %mul3A_27 = arith.muli %arg0, %mul3A_26 : i32
      %add3A_28 = arith.constant 9984 : i32
      %add3A_29 = arith.addi %mul3A_27, %add3A_28 : i32
      "tpu.region"() ({
        %run_scoped3A = tpu.sem_alloc : memref<!tpu.dma_semaphore, #tpu.memory_space<semaphore_mem>>
        %dma_start3A = arith.constant 0 : i32
        %dma_start3A_30 = tpu.memref_slice %arg6[%add3A_29, %dma_start3A] : memref<20000x128xf32, #tpu.memory_space<hbm>> -> memref<16x128xf32, #tpu.memory_space<hbm>>
        %dma_start3A_31 = arith.constant 9984 : i32
        %dma_start3A_32 = arith.constant 0 : i32
        %dma_start3A_33 = tpu.memref_slice %arg10[%dma_start3A_31, %dma_start3A_32] : memref<10016x128xf32, #tpu.memory_space<vmem_shared>> -> memref<16x128xf32, #tpu.memory_space<vmem_shared>>
        tpu.enqueue_dma source(%dma_start3A_33 : memref<16x128xf32, #tpu.memory_space<vmem_shared>>) target(%dma_start3A_30 : memref<16x128xf32, #tpu.memory_space<hbm>>) target_semaphore(%run_scoped3A : memref<!tpu.dma_semaphore, #tpu.memory_space<semaphore_mem>>)
        %dma_wait3A = arith.constant 0 : i32
        %dma_wait3A_34 = tpu.memref_slice %arg6[%add3A_29, %dma_wait3A] : memref<20000x128xf32, #tpu.memory_space<hbm>> -> memref<16x128xf32, #tpu.memory_space<hbm>>
        %dma_wait3A_35 = arith.constant 9984 : i32
        %dma_wait3A_36 = arith.constant 0 : i32
        %dma_wait3A_37 = tpu.memref_slice %arg10[%dma_wait3A_35, %dma_wait3A_36] : memref<10016x128xf32, #tpu.memory_space<vmem_shared>> -> memref<16x128xf32, #tpu.memory_space<vmem_shared>>
        tpu.wait_dma2 semaphore(%run_scoped3A : memref<!tpu.dma_semaphore, #tpu.memory_space<semaphore_mem>>) src(%dma_wait3A_37 : memref<16x128xf32, #tpu.memory_space<vmem_shared>>) dst(%dma_wait3A_34 : memref<16x128xf32, #tpu.memory_space<hbm>>)
        tpu.yield
      }) : () -> ()
    } else {
    }
    return
  }
}

#map = affine_map<(d0, d1) -> (0, 0)>
#map1 = affine_map<(d0, d1) -> (0, 0, 0)>
module attributes {stable_mosaic.version = 14 : i64} {
  func.func @_egather(%arg0: i32, %arg1: i32, %arg2: memref<10000x128xf32, #tpu.memory_space<hbm>>, %arg3: memref<32x2x128xi32, #tpu.memory_space<hbm>>, %arg4: memref<8192x128xf32, #tpu.memory_space<hbm>>, %arg5: memref<2x128xi32, #tpu.memory_space<vmem>>, %arg6: memref<128x128xf32, #tpu.memory_space<vmem>>, %arg7: memref<!tpu.dma_semaphore, #tpu.memory_space<semaphore_mem>>) attributes {dimension_semantics = [#tpu.dimension_semantics<core_parallel>, #tpu.dimension_semantics<subcore_parallel>], iteration_bounds = array<i64: 2, 16>, scalar_prefetch = 0 : i64, scratch_operands = 3 : i64, tpu.core_type = #tpu.core_type<sc_vector_subcore>, window_params = [{transform_indices = #map}, {transform_indices = #map1}, {transform_indices = #map}]} {
    %mul3A = arith.constant 16 : i32
    %mul3A_0 = arith.muli %arg0, %mul3A : i32
    %add3A = arith.addi %mul3A_0, %arg1 : i32
    "tpu.region"() ({
      %run_scoped3A = tpu.sem_alloc : memref<!tpu.dma_semaphore, #tpu.memory_space<semaphore_mem>>
      %dma_start3A_35 = arith.constant 0 : i32
      %dma_start3A_36 = arith.constant 0 : i32
      %dma_start3A_37 = tpu.memref_slice %arg3[%add3A, %dma_start3A_35, %dma_start3A_36] : memref<32x2x128xi32, #tpu.memory_space<hbm>> -> memref<1x2x128xi32, #tpu.memory_space<hbm>>
      %dma_start3A_38 = tpu.memref_squeeze %dma_start3A_37 : memref<1x2x128xi32, #tpu.memory_space<hbm>> -> memref<2x128xi32, #tpu.memory_space<hbm>>
      %dma_start3A_39 = arith.constant 0 : i32
      %dma_start3A_40 = arith.constant 0 : i32
      %dma_start3A_41 = tpu.memref_slice %arg3[%add3A, %dma_start3A_39, %dma_start3A_40] : memref<32x2x128xi32, #tpu.memory_space<hbm>> -> memref<1x2x128xi32, #tpu.memory_space<hbm>>
      %dma_start3A_42 = tpu.memref_squeeze %dma_start3A_41 : memref<1x2x128xi32, #tpu.memory_space<hbm>> -> memref<2x128xi32, #tpu.memory_space<hbm>>
      tpu.enqueue_dma source(%dma_start3A_42 : memref<2x128xi32, #tpu.memory_space<hbm>>) target(%arg5 : memref<2x128xi32, #tpu.memory_space<vmem>>) target_semaphore(%run_scoped3A : memref<!tpu.dma_semaphore, #tpu.memory_space<semaphore_mem>>)
      %dma_wait3A_43 = arith.constant 0 : i32
      %dma_wait3A_44 = arith.constant 0 : i32
      %dma_wait3A_45 = tpu.memref_slice %arg3[%add3A, %dma_wait3A_43, %dma_wait3A_44] : memref<32x2x128xi32, #tpu.memory_space<hbm>> -> memref<1x2x128xi32, #tpu.memory_space<hbm>>
      %dma_wait3A_46 = tpu.memref_squeeze %dma_wait3A_45 : memref<1x2x128xi32, #tpu.memory_space<hbm>> -> memref<2x128xi32, #tpu.memory_space<hbm>>
      %dma_wait3A_47 = arith.constant 0 : i32
      %dma_wait3A_48 = arith.constant 0 : i32
      %dma_wait3A_49 = tpu.memref_slice %arg3[%add3A, %dma_wait3A_47, %dma_wait3A_48] : memref<32x2x128xi32, #tpu.memory_space<hbm>> -> memref<1x2x128xi32, #tpu.memory_space<hbm>>
      %dma_wait3A_50 = tpu.memref_squeeze %dma_wait3A_49 : memref<1x2x128xi32, #tpu.memory_space<hbm>> -> memref<2x128xi32, #tpu.memory_space<hbm>>
      tpu.wait_dma2 semaphore(%run_scoped3A : memref<!tpu.dma_semaphore, #tpu.memory_space<semaphore_mem>>) src(%dma_wait3A_50 : memref<2x128xi32, #tpu.memory_space<hbm>>) dst(%arg5 : memref<2x128xi32, #tpu.memory_space<vmem>>)
      tpu.yield
    }) : () -> ()
    %dma_start3A = arith.constant 0 : i32
    %dma_start3A_1 = arith.constant 0 : i32
    %dma_start3A_2 = tpu.memref_slice %arg5[%dma_start3A, %dma_start3A_1] : memref<2x128xi32, #tpu.memory_space<vmem>> -> memref<1x128xi32, #tpu.memory_space<vmem>>
    %dma_start3A_3 = tpu.memref_squeeze %dma_start3A_2 : memref<1x128xi32, #tpu.memory_space<vmem>> -> memref<128xi32, #tpu.memory_space<vmem>>
    %dma_start3A_4 = arith.constant 0 : i32
    %dma_start3A_5 = arith.constant 0 : i32
    %dma_start3A_6 = tpu.memref_slice %arg2[%dma_start3A_4, %dma_start3A_5] : memref<10000x128xf32, #tpu.memory_space<hbm>> -> memref<10000x128xf32, #tpu.memory_space<hbm>>
    tpu.enqueue_indirect_dma source(%dma_start3A_6 : memref<10000x128xf32, #tpu.memory_space<hbm>>) target(%arg6 : memref<128x128xf32, #tpu.memory_space<vmem>>) offsets(%dma_start3A_3 : memref<128xi32, #tpu.memory_space<vmem>>) semaphore(%arg7 : memref<!tpu.dma_semaphore, #tpu.memory_space<semaphore_mem>>)
    %dma_wait3A = arith.constant 0 : i32
    %dma_wait3A_7 = arith.constant 0 : i32
    %dma_wait3A_8 = tpu.memref_slice %arg5[%dma_wait3A, %dma_wait3A_7] : memref<2x128xi32, #tpu.memory_space<vmem>> -> memref<1x128xi32, #tpu.memory_space<vmem>>
    %dma_wait3A_9 = tpu.memref_squeeze %dma_wait3A_8 : memref<1x128xi32, #tpu.memory_space<vmem>> -> memref<128xi32, #tpu.memory_space<vmem>>
    %dma_wait3A_10 = arith.constant 0 : i32
    %dma_wait3A_11 = arith.constant 0 : i32
    %dma_wait3A_12 = tpu.memref_slice %arg2[%dma_wait3A_10, %dma_wait3A_11] : memref<10000x128xf32, #tpu.memory_space<hbm>> -> memref<10000x128xf32, #tpu.memory_space<hbm>>
    tpu.wait_indirect_dma semaphore(%arg7 : memref<!tpu.dma_semaphore, #tpu.memory_space<semaphore_mem>>) src(%dma_wait3A_12 : memref<10000x128xf32, #tpu.memory_space<hbm>>) dst(%arg6 : memref<128x128xf32, #tpu.memory_space<vmem>>)
    %mul3A_13 = arith.constant 256 : i32
    %mul3A_14 = arith.muli %add3A, %mul3A_13 : i32
    %add3A_15 = arith.constant 0 : i32
    %add3A_16 = arith.addi %mul3A_14, %add3A_15 : i32
    "tpu.region"() ({
      %run_scoped3A = tpu.sem_alloc : memref<!tpu.dma_semaphore, #tpu.memory_space<semaphore_mem>>
      %dma_start3A_35 = arith.constant 0 : i32
      %dma_start3A_36 = tpu.memref_slice %arg4[%add3A_16, %dma_start3A_35] : memref<8192x128xf32, #tpu.memory_space<hbm>> -> memref<128x128xf32, #tpu.memory_space<hbm>>
      %dma_start3A_37 = arith.constant 0 : i32
      %dma_start3A_38 = tpu.memref_slice %arg4[%add3A_16, %dma_start3A_37] : memref<8192x128xf32, #tpu.memory_space<hbm>> -> memref<128x128xf32, #tpu.memory_space<hbm>>
      tpu.enqueue_dma source(%arg6 : memref<128x128xf32, #tpu.memory_space<vmem>>) target(%dma_start3A_38 : memref<128x128xf32, #tpu.memory_space<hbm>>) target_semaphore(%run_scoped3A : memref<!tpu.dma_semaphore, #tpu.memory_space<semaphore_mem>>)
      %dma_wait3A_39 = arith.constant 0 : i32
      %dma_wait3A_40 = tpu.memref_slice %arg4[%add3A_16, %dma_wait3A_39] : memref<8192x128xf32, #tpu.memory_space<hbm>> -> memref<128x128xf32, #tpu.memory_space<hbm>>
      %dma_wait3A_41 = arith.constant 0 : i32
      %dma_wait3A_42 = tpu.memref_slice %arg4[%add3A_16, %dma_wait3A_41] : memref<8192x128xf32, #tpu.memory_space<hbm>> -> memref<128x128xf32, #tpu.memory_space<hbm>>
      tpu.wait_dma2 semaphore(%run_scoped3A : memref<!tpu.dma_semaphore, #tpu.memory_space<semaphore_mem>>) src(%arg6 : memref<128x128xf32, #tpu.memory_space<vmem>>) dst(%dma_wait3A_42 : memref<128x128xf32, #tpu.memory_space<hbm>>)
      tpu.yield
    }) : () -> ()
    %dma_start3A_17 = arith.constant 1 : i32
    %dma_start3A_18 = arith.constant 0 : i32
    %dma_start3A_19 = tpu.memref_slice %arg5[%dma_start3A_17, %dma_start3A_18] : memref<2x128xi32, #tpu.memory_space<vmem>> -> memref<1x128xi32, #tpu.memory_space<vmem>>
    %dma_start3A_20 = tpu.memref_squeeze %dma_start3A_19 : memref<1x128xi32, #tpu.memory_space<vmem>> -> memref<128xi32, #tpu.memory_space<vmem>>
    %dma_start3A_21 = arith.constant 0 : i32
    %dma_start3A_22 = arith.constant 0 : i32
    %dma_start3A_23 = tpu.memref_slice %arg2[%dma_start3A_21, %dma_start3A_22] : memref<10000x128xf32, #tpu.memory_space<hbm>> -> memref<10000x128xf32, #tpu.memory_space<hbm>>
    tpu.enqueue_indirect_dma source(%dma_start3A_23 : memref<10000x128xf32, #tpu.memory_space<hbm>>) target(%arg6 : memref<128x128xf32, #tpu.memory_space<vmem>>) offsets(%dma_start3A_20 : memref<128xi32, #tpu.memory_space<vmem>>) semaphore(%arg7 : memref<!tpu.dma_semaphore, #tpu.memory_space<semaphore_mem>>)
    %dma_wait3A_24 = arith.constant 1 : i32
    %dma_wait3A_25 = arith.constant 0 : i32
    %dma_wait3A_26 = tpu.memref_slice %arg5[%dma_wait3A_24, %dma_wait3A_25] : memref<2x128xi32, #tpu.memory_space<vmem>> -> memref<1x128xi32, #tpu.memory_space<vmem>>
    %dma_wait3A_27 = tpu.memref_squeeze %dma_wait3A_26 : memref<1x128xi32, #tpu.memory_space<vmem>> -> memref<128xi32, #tpu.memory_space<vmem>>
    %dma_wait3A_28 = arith.constant 0 : i32
    %dma_wait3A_29 = arith.constant 0 : i32
    %dma_wait3A_30 = tpu.memref_slice %arg2[%dma_wait3A_28, %dma_wait3A_29] : memref<10000x128xf32, #tpu.memory_space<hbm>> -> memref<10000x128xf32, #tpu.memory_space<hbm>>
    tpu.wait_indirect_dma semaphore(%arg7 : memref<!tpu.dma_semaphore, #tpu.memory_space<semaphore_mem>>) src(%dma_wait3A_30 : memref<10000x128xf32, #tpu.memory_space<hbm>>) dst(%arg6 : memref<128x128xf32, #tpu.memory_space<vmem>>)
    %mul3A_31 = arith.constant 256 : i32
    %mul3A_32 = arith.muli %add3A, %mul3A_31 : i32
    %add3A_33 = arith.constant 128 : i32
    %add3A_34 = arith.addi %mul3A_32, %add3A_33 : i32
    "tpu.region"() ({
      %run_scoped3A = tpu.sem_alloc : memref<!tpu.dma_semaphore, #tpu.memory_space<semaphore_mem>>
      %dma_start3A_35 = arith.constant 0 : i32
      %dma_start3A_36 = tpu.memref_slice %arg4[%add3A_34, %dma_start3A_35] : memref<8192x128xf32, #tpu.memory_space<hbm>> -> memref<128x128xf32, #tpu.memory_space<hbm>>
      %dma_start3A_37 = arith.constant 0 : i32
      %dma_start3A_38 = tpu.memref_slice %arg4[%add3A_34, %dma_start3A_37] : memref<8192x128xf32, #tpu.memory_space<hbm>> -> memref<128x128xf32, #tpu.memory_space<hbm>>
      tpu.enqueue_dma source(%arg6 : memref<128x128xf32, #tpu.memory_space<vmem>>) target(%dma_start3A_38 : memref<128x128xf32, #tpu.memory_space<hbm>>) target_semaphore(%run_scoped3A : memref<!tpu.dma_semaphore, #tpu.memory_space<semaphore_mem>>)
      %dma_wait3A_39 = arith.constant 0 : i32
      %dma_wait3A_40 = tpu.memref_slice %arg4[%add3A_34, %dma_wait3A_39] : memref<8192x128xf32, #tpu.memory_space<hbm>> -> memref<128x128xf32, #tpu.memory_space<hbm>>
      %dma_wait3A_41 = arith.constant 0 : i32
      %dma_wait3A_42 = tpu.memref_slice %arg4[%add3A_34, %dma_wait3A_41] : memref<8192x128xf32, #tpu.memory_space<hbm>> -> memref<128x128xf32, #tpu.memory_space<hbm>>
      tpu.wait_dma2 semaphore(%run_scoped3A : memref<!tpu.dma_semaphore, #tpu.memory_space<semaphore_mem>>) src(%arg6 : memref<128x128xf32, #tpu.memory_space<vmem>>) dst(%dma_wait3A_42 : memref<128x128xf32, #tpu.memory_space<hbm>>)
      tpu.yield
    }) : () -> ()
    return
  }
}

module attributes {stable_mosaic.version = 14 : i64} {
  func.func @_relu_lin_body(%arg0: i32, %arg1: memref<1000x128xf32, #tpu.memory_space<vmem>>, %arg2: memref<128x128xf32, #tpu.memory_space<vmem>>, %arg3: memref<1x128xf32, #tpu.memory_space<vmem>>, %arg4: memref<1000x128xf32, #tpu.memory_space<vmem>>) attributes {dimension_semantics = [#tpu.dimension_semantics<arbitrary>], iteration_bounds = array<i64: 10>, scalar_prefetch = 0 : i64, scratch_operands = 0 : i64, tpu.core_type = #tpu.core_type<tc>, window_params = [{transform_indices = @transform_0, window_bounds = array<i64: 1000, 128>}, {pipeline_mode = #tpu.pipeline_mode<synchronous>, transform_indices = @transform_1, window_bounds = array<i64: 128, 128>}, {pipeline_mode = #tpu.pipeline_mode<synchronous>, transform_indices = @transform_2, window_bounds = array<i64: 1, 128>}, {transform_indices = @transform_3, window_bounds = array<i64: 1000, 128>}]} {
    %get3A = arith.constant 0 : index
    %get3A_0 = arith.constant 0 : index
    %get3A_1 = vector.load %arg1[%get3A, %get3A_0] : memref<1000x128xf32, #tpu.memory_space<vmem>>, vector<1000x128xf32>
    %get3A_2 = arith.constant 0 : index
    %get3A_3 = arith.constant 0 : index
    %get3A_4 = vector.load %arg2[%get3A_2, %get3A_3] : memref<128x128xf32, #tpu.memory_space<vmem>>, vector<128x128xf32>
    %dot_general3A = arith.constant dense<0.000000e+00> : vector<1000x128xf32>
    %dot_general3A_5 = tpu.matmul %get3A_1, %get3A_4, %dot_general3A {dimension_numbers = #tpu.dot_dimension_numbers<[1], [0], [0], [1], [0, 0, 1, 1], [], []>, transpose_lhs_hint = false} : vector<1000x128xf32>, vector<128x128xf32>, vector<1000x128xf32> -> vector<1000x128xf32>
    %get3A_6 = arith.constant 0 : index
    %get3A_7 = arith.constant 0 : index
    %get3A_8 = vector.load %arg3[%get3A_6, %get3A_7] : memref<1x128xf32, #tpu.memory_space<vmem>>, vector<1x128xf32>
    %add3A = vector.broadcast %get3A_8 : vector<1x128xf32> to vector<1000x128xf32>
    %add3A_9 = arith.addf %dot_general3A_5, %add3A : vector<1000x128xf32>
    %max3A = arith.constant 0.000000e+00 : f32
    %max3A_10 = vector.broadcast %max3A : f32 to vector<1000x128xf32>
    %max3A_11 = arith.maximumf %add3A_9, %max3A_10 : vector<1000x128xf32>
    %swap3A = arith.constant 0 : index
    %swap3A_12 = arith.constant 0 : index
    %swap3A_13 = vector.load %arg4[%swap3A, %swap3A_12] : memref<1000x128xf32, #tpu.memory_space<vmem>>, vector<1000x128xf32>
    tpu.vector_store %arg4[%swap3A, %swap3A_12], %max3A_11 {strides = array<i32>} : memref<1000x128xf32, #tpu.memory_space<vmem>>, vector<1000x128xf32>,
    return
  }
  func.func @transform_0(%arg0: i32) -> (i32, i32) {
    %c0_i32 = arith.constant 0 : i32
    %c0_i32_0 = arith.constant 0 : i32
    return %arg0, %c0_i32 : i32, i32
  }
  func.func @transform_1(%arg0: i32) -> (i32, i32) {
    %c0_i32 = arith.constant 0 : i32
    %c0_i32_0 = arith.constant 0 : i32
    %c0_i32_1 = arith.constant 0 : i32
    return %c0_i32, %c0_i32_0 : i32, i32
  }
  func.func @transform_2(%arg0: i32) -> (i32, i32) {
    %c0_i32 = arith.constant 0 : i32
    %c0_i32_0 = arith.constant 0 : i32
    %c0_i32_1 = arith.constant 0 : i32
    return %c0_i32, %c0_i32_0 : i32, i32
  }
  func.func @transform_3(%arg0: i32) -> (i32, i32) {
    %c0_i32 = arith.constant 0 : i32
    %c0_i32_0 = arith.constant 0 : i32
    return %arg0, %c0_i32 : i32, i32
  }
}

module attributes {stable_mosaic.version = 14 : i64} {
  func.func @_combine_m_body(%arg0: i32, %arg1: memref<1000x128xf32, #tpu.memory_space<vmem>>, %arg2: memref<1000x128xf32, #tpu.memory_space<vmem>>, %arg3: memref<1000x128xf32, #tpu.memory_space<vmem>>, %arg4: memref<128x128xf32, #tpu.memory_space<vmem>>, %arg5: memref<128x128xf32, #tpu.memory_space<vmem>>, %arg6: memref<1x128xf32, #tpu.memory_space<vmem>>, %arg7: memref<128x128xf32, #tpu.memory_space<vmem>>, %arg8: memref<1x128xf32, #tpu.memory_space<vmem>>, %arg9: memref<1000x128xf32, #tpu.memory_space<vmem>>, %arg10: memref<1000x128xf32, #tpu.memory_space<vmem>>) attributes {dimension_semantics = [#tpu.dimension_semantics<arbitrary>], iteration_bounds = array<i64: 10>, scalar_prefetch = 0 : i64, scratch_operands = 0 : i64, tpu.core_type = #tpu.core_type<tc>, window_params = [{transform_indices = @transform_0, window_bounds = array<i64: 1000, 128>}, {transform_indices = @transform_1, window_bounds = array<i64: 1000, 128>}, {transform_indices = @transform_2, window_bounds = array<i64: 1000, 128>}, {pipeline_mode = #tpu.pipeline_mode<synchronous>, transform_indices = @transform_3, window_bounds = array<i64: 128, 128>}, {pipeline_mode = #tpu.pipeline_mode<synchronous>, transform_indices = @transform_4, window_bounds = array<i64: 128, 128>}, {pipeline_mode = #tpu.pipeline_mode<synchronous>, transform_indices = @transform_5, window_bounds = array<i64: 1, 128>}, {pipeline_mode = #tpu.pipeline_mode<synchronous>, transform_indices = @transform_6, window_bounds = array<i64: 128, 128>}, {pipeline_mode = #tpu.pipeline_mode<synchronous>, transform_indices = @transform_7, window_bounds = array<i64: 1, 128>}, {transform_indices = @transform_8, window_bounds = array<i64: 1000, 128>}, {transform_indices = @transform_9, window_bounds = array<i64: 1000, 128>}]} {
    %get3A = arith.constant 0 : index
    %get3A_0 = arith.constant 0 : index
    %get3A_1 = vector.load %arg1[%get3A, %get3A_0] : memref<1000x128xf32, #tpu.memory_space<vmem>>, vector<1000x128xf32>
    %get3A_2 = arith.constant 0 : index
    %get3A_3 = arith.constant 0 : index
    %get3A_4 = vector.load %arg2[%get3A_2, %get3A_3] : memref<1000x128xf32, #tpu.memory_space<vmem>>, vector<1000x128xf32>
    %add3A = arith.addf %get3A_1, %get3A_4 : vector<1000x128xf32>
    %get3A_5 = arith.constant 0 : index
    %get3A_6 = arith.constant 0 : index
    %get3A_7 = vector.load %arg4[%get3A_5, %get3A_6] : memref<128x128xf32, #tpu.memory_space<vmem>>, vector<128x128xf32>
    %dot_general3A = arith.constant dense<0.000000e+00> : vector<1000x128xf32>
    %dot_general3A_8 = tpu.matmul %add3A, %get3A_7, %dot_general3A {dimension_numbers = #tpu.dot_dimension_numbers<[1], [0], [0], [1], [0, 0, 1, 1], [], []>, transpose_lhs_hint = false} : vector<1000x128xf32>, vector<128x128xf32>, vector<1000x128xf32> -> vector<1000x128xf32>
    %get3A_9 = arith.constant 0 : index
    %get3A_10 = arith.constant 0 : index
    %get3A_11 = vector.load %arg3[%get3A_9, %get3A_10] : memref<1000x128xf32, #tpu.memory_space<vmem>>, vector<1000x128xf32>
    %get3A_12 = arith.constant 0 : index
    %get3A_13 = arith.constant 0 : index
    %get3A_14 = vector.load %arg5[%get3A_12, %get3A_13] : memref<128x128xf32, #tpu.memory_space<vmem>>, vector<128x128xf32>
    %dot_general3A_15 = arith.constant dense<0.000000e+00> : vector<1000x128xf32>
    %dot_general3A_16 = tpu.matmul %get3A_11, %get3A_14, %dot_general3A_15 {dimension_numbers = #tpu.dot_dimension_numbers<[1], [0], [0], [1], [0, 0, 1, 1], [], []>, transpose_lhs_hint = false} : vector<1000x128xf32>, vector<128x128xf32>, vector<1000x128xf32> -> vector<1000x128xf32>
    %add3A_17 = arith.addf %dot_general3A_8, %dot_general3A_16 : vector<1000x128xf32>
    %get3A_18 = arith.constant 0 : index
    %get3A_19 = arith.constant 0 : index
    %get3A_20 = vector.load %arg6[%get3A_18, %get3A_19] : memref<1x128xf32, #tpu.memory_space<vmem>>, vector<1x128xf32>
    %add3A_21 = vector.broadcast %get3A_20 : vector<1x128xf32> to vector<1000x128xf32>
    %add3A_22 = arith.addf %add3A_17, %add3A_21 : vector<1000x128xf32>
    %max3A = arith.constant 0.000000e+00 : f32
    %max3A_23 = vector.broadcast %max3A : f32 to vector<1000x128xf32>
    %max3A_24 = arith.maximumf %add3A_22, %max3A_23 : vector<1000x128xf32>
    %mul3A = arith.mulf %max3A_24, %max3A_24 : vector<1000x128xf32>
    %reduce_sum3A = arith.constant dense<0.000000e+00> : vector<1000xf32>
    %reduce_sum3A_25 = vector.multi_reduction <add>, %mul3A, %reduce_sum3A [1] : vector<1000x128xf32> to vector<1000xf32>
    %broadcast_in_dim3A = vector.shape_cast %reduce_sum3A_25 : vector<1000xf32> to vector<1000x1xf32>
    %sqrt3A = math.sqrt %broadcast_in_dim3A : vector<1000x1xf32>
    %max3A_26 = arith.constant 9.99999996E-13 : f32
    %max3A_27 = vector.broadcast %max3A_26 : f32 to vector<1000x1xf32>
    %max3A_28 = arith.maximumf %sqrt3A, %max3A_27 : vector<1000x1xf32>
    %div3A = vector.broadcast %max3A_28 : vector<1000x1xf32> to vector<1000x128xf32>
    %div3A_29 = arith.divf %max3A_24, %div3A : vector<1000x128xf32>
    %swap3A = arith.constant 0 : index
    %swap3A_30 = arith.constant 0 : index
    %swap3A_31 = vector.load %arg9[%swap3A, %swap3A_30] : memref<1000x128xf32, #tpu.memory_space<vmem>>, vector<1000x128xf32>
    tpu.vector_store %arg9[%swap3A, %swap3A_30], %div3A_29 {strides = array<i32>} : memref<1000x128xf32, #tpu.memory_space<vmem>>, vector<1000x128xf32>,
    %get3A_32 = arith.constant 0 : index
    %get3A_33 = arith.constant 0 : index
    %get3A_34 = vector.load %arg7[%get3A_32, %get3A_33] : memref<128x128xf32, #tpu.memory_space<vmem>>, vector<128x128xf32>
    %dot_general3A_35 = arith.constant dense<0.000000e+00> : vector<1000x128xf32>
    %dot_general3A_36 = tpu.matmul %div3A_29, %get3A_34, %dot_general3A_35 {dimension_numbers = #tpu.dot_dimension_numbers<[1], [0], [0], [1], [0, 0, 1, 1], [], []>, transpose_lhs_hint = false} : vector<1000x128xf32>, vector<128x128xf32>, vector<1000x128xf32> -> vector<1000x128xf32>
    %get3A_37 = arith.constant 0 : index
    %get3A_38 = arith.constant 0 : index
    %get3A_39 = vector.load %arg8[%get3A_37, %get3A_38] : memref<1x128xf32, #tpu.memory_space<vmem>>, vector<1x128xf32>
    %add3A_40 = vector.broadcast %get3A_39 : vector<1x128xf32> to vector<1000x128xf32>
    %add3A_41 = arith.addf %dot_general3A_36, %add3A_40 : vector<1000x128xf32>
    %max3A_42 = arith.constant 0.000000e+00 : f32
    %max3A_43 = vector.broadcast %max3A_42 : f32 to vector<1000x128xf32>
    %max3A_44 = arith.maximumf %add3A_41, %max3A_43 : vector<1000x128xf32>
    %swap3A_45 = arith.constant 0 : index
    %swap3A_46 = arith.constant 0 : index
    %swap3A_47 = vector.load %arg10[%swap3A_45, %swap3A_46] : memref<1000x128xf32, #tpu.memory_space<vmem>>, vector<1000x128xf32>
    tpu.vector_store %arg10[%swap3A_45, %swap3A_46], %max3A_44 {strides = array<i32>} : memref<1000x128xf32, #tpu.memory_space<vmem>>, vector<1000x128xf32>,
    return
  }
  func.func @transform_0(%arg0: i32) -> (i32, i32) {
    %c0_i32 = arith.constant 0 : i32
    %c0_i32_0 = arith.constant 0 : i32
    return %arg0, %c0_i32 : i32, i32
  }
  func.func @transform_1(%arg0: i32) -> (i32, i32) {
    %c0_i32 = arith.constant 0 : i32
    %c0_i32_0 = arith.constant 0 : i32
    return %arg0, %c0_i32 : i32, i32
  }
  func.func @transform_2(%arg0: i32) -> (i32, i32) {
    %c0_i32 = arith.constant 0 : i32
    %c0_i32_0 = arith.constant 0 : i32
    return %arg0, %c0_i32 : i32, i32
  }
  func.func @transform_3(%arg0: i32) -> (i32, i32) {
    %c0_i32 = arith.constant 0 : i32
    %c0_i32_0 = arith.constant 0 : i32
    %c0_i32_1 = arith.constant 0 : i32
    return %c0_i32, %c0_i32_0 : i32, i32
  }
  func.func @transform_4(%arg0: i32) -> (i32, i32) {
    %c0_i32 = arith.constant 0 : i32
    %c0_i32_0 = arith.constant 0 : i32
    %c0_i32_1 = arith.constant 0 : i32
    return %c0_i32, %c0_i32_0 : i32, i32
  }
  func.func @transform_5(%arg0: i32) -> (i32, i32) {
    %c0_i32 = arith.constant 0 : i32
    %c0_i32_0 = arith.constant 0 : i32
    %c0_i32_1 = arith.constant 0 : i32
    return %c0_i32, %c0_i32_0 : i32, i32
  }
  func.func @transform_6(%arg0: i32) -> (i32, i32) {
    %c0_i32 = arith.constant 0 : i32
    %c0_i32_0 = arith.constant 0 : i32
    %c0_i32_1 = arith.constant 0 : i32
    return %c0_i32, %c0_i32_0 : i32, i32
  }
  func.func @transform_7(%arg0: i32) -> (i32, i32) {
    %c0_i32 = arith.constant 0 : i32
    %c0_i32_0 = arith.constant 0 : i32
    %c0_i32_1 = arith.constant 0 : i32
    return %c0_i32, %c0_i32_0 : i32, i32
  }
  func.func @transform_8(%arg0: i32) -> (i32, i32) {
    %c0_i32 = arith.constant 0 : i32
    %c0_i32_0 = arith.constant 0 : i32
    return %arg0, %c0_i32 : i32, i32
  }
  func.func @transform_9(%arg0: i32) -> (i32, i32) {
    %c0_i32 = arith.constant 0 : i32
    %c0_i32_0 = arith.constant 0 : i32
    return %arg0, %c0_i32 : i32, i32
  }
}

module attributes {stable_mosaic.version = 14 : i64} {
  func.func @_combine_body(%arg0: i32, %arg1: memref<1000x128xf32, #tpu.memory_space<vmem>>, %arg2: memref<1000x128xf32, #tpu.memory_space<vmem>>, %arg3: memref<1000x128xf32, #tpu.memory_space<vmem>>, %arg4: memref<128x128xf32, #tpu.memory_space<vmem>>, %arg5: memref<128x128xf32, #tpu.memory_space<vmem>>, %arg6: memref<1x128xf32, #tpu.memory_space<vmem>>, %arg7: memref<1000x128xf32, #tpu.memory_space<vmem>>) attributes {dimension_semantics = [#tpu.dimension_semantics<arbitrary>], iteration_bounds = array<i64: 10>, scalar_prefetch = 0 : i64, scratch_operands = 0 : i64, tpu.core_type = #tpu.core_type<tc>, window_params = [{transform_indices = @transform_0, window_bounds = array<i64: 1000, 128>}, {transform_indices = @transform_1, window_bounds = array<i64: 1000, 128>}, {transform_indices = @transform_2, window_bounds = array<i64: 1000, 128>}, {pipeline_mode = #tpu.pipeline_mode<synchronous>, transform_indices = @transform_3, window_bounds = array<i64: 128, 128>}, {pipeline_mode = #tpu.pipeline_mode<synchronous>, transform_indices = @transform_4, window_bounds = array<i64: 128, 128>}, {pipeline_mode = #tpu.pipeline_mode<synchronous>, transform_indices = @transform_5, window_bounds = array<i64: 1, 128>}, {transform_indices = @transform_6, window_bounds = array<i64: 1000, 128>}]} {
    %get3A = arith.constant 0 : index
    %get3A_0 = arith.constant 0 : index
    %get3A_1 = vector.load %arg1[%get3A, %get3A_0] : memref<1000x128xf32, #tpu.memory_space<vmem>>, vector<1000x128xf32>
    %get3A_2 = arith.constant 0 : index
    %get3A_3 = arith.constant 0 : index
    %get3A_4 = vector.load %arg2[%get3A_2, %get3A_3] : memref<1000x128xf32, #tpu.memory_space<vmem>>, vector<1000x128xf32>
    %add3A = arith.addf %get3A_1, %get3A_4 : vector<1000x128xf32>
    %get3A_5 = arith.constant 0 : index
    %get3A_6 = arith.constant 0 : index
    %get3A_7 = vector.load %arg4[%get3A_5, %get3A_6] : memref<128x128xf32, #tpu.memory_space<vmem>>, vector<128x128xf32>
    %dot_general3A = arith.constant dense<0.000000e+00> : vector<1000x128xf32>
    %dot_general3A_8 = tpu.matmul %add3A, %get3A_7, %dot_general3A {dimension_numbers = #tpu.dot_dimension_numbers<[1], [0], [0], [1], [0, 0, 1, 1], [], []>, transpose_lhs_hint = false} : vector<1000x128xf32>, vector<128x128xf32>, vector<1000x128xf32> -> vector<1000x128xf32>
    %get3A_9 = arith.constant 0 : index
    %get3A_10 = arith.constant 0 : index
    %get3A_11 = vector.load %arg3[%get3A_9, %get3A_10] : memref<1000x128xf32, #tpu.memory_space<vmem>>, vector<1000x128xf32>
    %get3A_12 = arith.constant 0 : index
    %get3A_13 = arith.constant 0 : index
    %get3A_14 = vector.load %arg5[%get3A_12, %get3A_13] : memref<128x128xf32, #tpu.memory_space<vmem>>, vector<128x128xf32>
    %dot_general3A_15 = arith.constant dense<0.000000e+00> : vector<1000x128xf32>
    %dot_general3A_16 = tpu.matmul %get3A_11, %get3A_14, %dot_general3A_15 {dimension_numbers = #tpu.dot_dimension_numbers<[1], [0], [0], [1], [0, 0, 1, 1], [], []>, transpose_lhs_hint = false} : vector<1000x128xf32>, vector<128x128xf32>, vector<1000x128xf32> -> vector<1000x128xf32>
    %add3A_17 = arith.addf %dot_general3A_8, %dot_general3A_16 : vector<1000x128xf32>
    %get3A_18 = arith.constant 0 : index
    %get3A_19 = arith.constant 0 : index
    %get3A_20 = vector.load %arg6[%get3A_18, %get3A_19] : memref<1x128xf32, #tpu.memory_space<vmem>>, vector<1x128xf32>
    %add3A_21 = vector.broadcast %get3A_20 : vector<1x128xf32> to vector<1000x128xf32>
    %add3A_22 = arith.addf %add3A_17, %add3A_21 : vector<1000x128xf32>
    %max3A = arith.constant 0.000000e+00 : f32
    %max3A_23 = vector.broadcast %max3A : f32 to vector<1000x128xf32>
    %max3A_24 = arith.maximumf %add3A_22, %max3A_23 : vector<1000x128xf32>
    %mul3A = arith.mulf %max3A_24, %max3A_24 : vector<1000x128xf32>
    %reduce_sum3A = arith.constant dense<0.000000e+00> : vector<1000xf32>
    %reduce_sum3A_25 = vector.multi_reduction <add>, %mul3A, %reduce_sum3A [1] : vector<1000x128xf32> to vector<1000xf32>
    %broadcast_in_dim3A = vector.shape_cast %reduce_sum3A_25 : vector<1000xf32> to vector<1000x1xf32>
    %sqrt3A = math.sqrt %broadcast_in_dim3A : vector<1000x1xf32>
    %max3A_26 = arith.constant 9.99999996E-13 : f32
    %max3A_27 = vector.broadcast %max3A_26 : f32 to vector<1000x1xf32>
    %max3A_28 = arith.maximumf %sqrt3A, %max3A_27 : vector<1000x1xf32>
    %div3A = vector.broadcast %max3A_28 : vector<1000x1xf32> to vector<1000x128xf32>
    %div3A_29 = arith.divf %max3A_24, %div3A : vector<1000x128xf32>
    %swap3A = arith.constant 0 : index
    %swap3A_30 = arith.constant 0 : index
    %swap3A_31 = vector.load %arg7[%swap3A, %swap3A_30] : memref<1000x128xf32, #tpu.memory_space<vmem>>, vector<1000x128xf32>
    tpu.vector_store %arg7[%swap3A, %swap3A_30], %div3A_29 {strides = array<i32>} : memref<1000x128xf32, #tpu.memory_space<vmem>>, vector<1000x128xf32>,
    return
  }
  func.func @transform_0(%arg0: i32) -> (i32, i32) {
    %c0_i32 = arith.constant 0 : i32
    %c0_i32_0 = arith.constant 0 : i32
    return %arg0, %c0_i32 : i32, i32
  }
  func.func @transform_1(%arg0: i32) -> (i32, i32) {
    %c0_i32 = arith.constant 0 : i32
    %c0_i32_0 = arith.constant 0 : i32
    return %arg0, %c0_i32 : i32, i32
  }
  func.func @transform_2(%arg0: i32) -> (i32, i32) {
    %c0_i32 = arith.constant 0 : i32
    %c0_i32_0 = arith.constant 0 : i32
    return %arg0, %c0_i32 : i32, i32
  }
  func.func @transform_3(%arg0: i32) -> (i32, i32) {
    %c0_i32 = arith.constant 0 : i32
    %c0_i32_0 = arith.constant 0 : i32
    %c0_i32_1 = arith.constant 0 : i32
    return %c0_i32, %c0_i32_0 : i32, i32
  }
  func.func @transform_4(%arg0: i32) -> (i32, i32) {
    %c0_i32 = arith.constant 0 : i32
    %c0_i32_0 = arith.constant 0 : i32
    %c0_i32_1 = arith.constant 0 : i32
    return %c0_i32, %c0_i32_0 : i32, i32
  }
  func.func @transform_5(%arg0: i32) -> (i32, i32) {
    %c0_i32 = arith.constant 0 : i32
    %c0_i32_0 = arith.constant 0 : i32
    %c0_i32_1 = arith.constant 0 : i32
    return %c0_i32, %c0_i32_0 : i32, i32
  }
  func.func @transform_6(%arg0: i32) -> (i32, i32) {
    %c0_i32 = arith.constant 0 : i32
    %c0_i32_0 = arith.constant 0 : i32
    return %arg0, %c0_i32 : i32, i32
  }
}

module attributes {stable_mosaic.version = 14 : i64} {
  func.func @_final_body(%arg0: i32, %arg1: memref<1024x128xf32, #tpu.memory_space<vmem>>, %arg2: memref<1024x128xf32, #tpu.memory_space<vmem>>, %arg3: memref<128x128xf32, #tpu.memory_space<vmem>>, %arg4: memref<128x128xf32, #tpu.memory_space<vmem>>, %arg5: memref<1x128xf32, #tpu.memory_space<vmem>>, %arg6: memref<128x2xf32, #tpu.memory_space<vmem>>, %arg7: memref<1x2xf32, #tpu.memory_space<vmem>>, %arg8: memref<1024x2xf32, #tpu.memory_space<vmem>>) attributes {dimension_semantics = [#tpu.dimension_semantics<arbitrary>], iteration_bounds = array<i64: 4>, scalar_prefetch = 0 : i64, scratch_operands = 0 : i64, tpu.core_type = #tpu.core_type<tc>, window_params = [{transform_indices = @transform_0, window_bounds = array<i64: 1024, 128>}, {transform_indices = @transform_1, window_bounds = array<i64: 1024, 128>}, {pipeline_mode = #tpu.pipeline_mode<synchronous>, transform_indices = @transform_2, window_bounds = array<i64: 128, 128>}, {pipeline_mode = #tpu.pipeline_mode<synchronous>, transform_indices = @transform_3, window_bounds = array<i64: 128, 128>}, {pipeline_mode = #tpu.pipeline_mode<synchronous>, transform_indices = @transform_4, window_bounds = array<i64: 1, 128>}, {pipeline_mode = #tpu.pipeline_mode<synchronous>, transform_indices = @transform_5, window_bounds = array<i64: 128, 2>}, {pipeline_mode = #tpu.pipeline_mode<synchronous>, transform_indices = @transform_6, window_bounds = array<i64: 1, 2>}, {transform_indices = @transform_7, window_bounds = array<i64: 1024, 2>}]} {
    %get3A = arith.constant 0 : index
    %get3A_0 = arith.constant 0 : index
    %get3A_1 = vector.load %arg1[%get3A, %get3A_0] : memref<1024x128xf32, #tpu.memory_space<vmem>>, vector<1024x128xf32>
    %get3A_2 = arith.constant 0 : index
    %get3A_3 = arith.constant 0 : index
    %get3A_4 = vector.load %arg3[%get3A_2, %get3A_3] : memref<128x128xf32, #tpu.memory_space<vmem>>, vector<128x128xf32>
    %dot_general3A = arith.constant dense<0.000000e+00> : vector<1024x128xf32>
    %dot_general3A_5 = tpu.matmul %get3A_1, %get3A_4, %dot_general3A {dimension_numbers = #tpu.dot_dimension_numbers<[1], [0], [0], [1], [0, 0, 1, 1], [], []>, transpose_lhs_hint = false} : vector<1024x128xf32>, vector<128x128xf32>, vector<1024x128xf32> -> vector<1024x128xf32>
    %get3A_6 = arith.constant 0 : index
    %get3A_7 = arith.constant 0 : index
    %get3A_8 = vector.load %arg2[%get3A_6, %get3A_7] : memref<1024x128xf32, #tpu.memory_space<vmem>>, vector<1024x128xf32>
    %get3A_9 = arith.constant 0 : index
    %get3A_10 = arith.constant 0 : index
    %get3A_11 = vector.load %arg4[%get3A_9, %get3A_10] : memref<128x128xf32, #tpu.memory_space<vmem>>, vector<128x128xf32>
    %dot_general3A_12 = arith.constant dense<0.000000e+00> : vector<1024x128xf32>
    %dot_general3A_13 = tpu.matmul %get3A_8, %get3A_11, %dot_general3A_12 {dimension_numbers = #tpu.dot_dimension_numbers<[1], [0], [0], [1], [0, 0, 1, 1], [], []>, transpose_lhs_hint = false} : vector<1024x128xf32>, vector<128x128xf32>, vector<1024x128xf32> -> vector<1024x128xf32>
    %add3A = arith.addf %dot_general3A_5, %dot_general3A_13 : vector<1024x128xf32>
    %get3A_14 = arith.constant 0 : index
    %get3A_15 = arith.constant 0 : index
    %get3A_16 = vector.load %arg5[%get3A_14, %get3A_15] : memref<1x128xf32, #tpu.memory_space<vmem>>, vector<1x128xf32>
    %add3A_17 = vector.broadcast %get3A_16 : vector<1x128xf32> to vector<1024x128xf32>
    %add3A_18 = arith.addf %add3A, %add3A_17 : vector<1024x128xf32>
    %get3A_19 = arith.constant 0 : index
    %get3A_20 = arith.constant 0 : index
    %get3A_21 = vector.load %arg6[%get3A_19, %get3A_20] : memref<128x2xf32, #tpu.memory_space<vmem>>, vector<128x2xf32>
    %dot_general3A_22 = arith.constant dense<0.000000e+00> : vector<1024x2xf32>
    %dot_general3A_23 = tpu.matmul %add3A_18, %get3A_21, %dot_general3A_22 {dimension_numbers = #tpu.dot_dimension_numbers<[1], [0], [0], [1], [0, 0, 1, 1], [], []>, transpose_lhs_hint = false} : vector<1024x128xf32>, vector<128x2xf32>, vector<1024x2xf32> -> vector<1024x2xf32>
    %get3A_24 = arith.constant 0 : index
    %get3A_25 = arith.constant 0 : index
    %get3A_26 = vector.load %arg7[%get3A_24, %get3A_25] : memref<1x2xf32, #tpu.memory_space<vmem>>, vector<1x2xf32>
    %add3A_27 = vector.broadcast %get3A_26 : vector<1x2xf32> to vector<1024x2xf32>
    %add3A_28 = arith.addf %dot_general3A_23, %add3A_27 : vector<1024x2xf32>
    %reduce_max3A = arith.constant dense<0xFF800000> : vector<1024xf32>
    %reduce_max3A_29 = vector.multi_reduction <maximumf>, %add3A_28, %reduce_max3A [1] : vector<1024x2xf32> to vector<1024xf32>
    %broadcast_in_dim3A = vector.shape_cast %reduce_max3A_29 : vector<1024xf32> to vector<1024x1xf32>
    %sub3A = vector.broadcast %broadcast_in_dim3A : vector<1024x1xf32> to vector<1024x2xf32>
    %sub3A_30 = arith.subf %add3A_28, %sub3A : vector<1024x2xf32>
    %exp3A = math.exp %sub3A_30 : vector<1024x2xf32>
    %reduce_sum3A = arith.constant dense<0.000000e+00> : vector<1024xf32>
    %reduce_sum3A_31 = vector.multi_reduction <add>, %exp3A, %reduce_sum3A [1] : vector<1024x2xf32> to vector<1024xf32>
    %broadcast_in_dim3A_32 = vector.shape_cast %reduce_sum3A_31 : vector<1024xf32> to vector<1024x1xf32>
    %log3A = math.log %broadcast_in_dim3A_32 : vector<1024x1xf32>
    %add3A_33 = arith.addf %broadcast_in_dim3A, %log3A : vector<1024x1xf32>
    %sub3A_34 = vector.broadcast %add3A_33 : vector<1024x1xf32> to vector<1024x2xf32>
    %sub3A_35 = arith.subf %add3A_28, %sub3A_34 : vector<1024x2xf32>
    %swap3A = arith.constant 0 : index
    %swap3A_36 = arith.constant 0 : index
    %swap3A_37 = vector.load %arg8[%swap3A, %swap3A_36] : memref<1024x2xf32, #tpu.memory_space<vmem>>, vector<1024x2xf32>
    tpu.vector_store %arg8[%swap3A, %swap3A_36], %sub3A_35 {strides = array<i32>} : memref<1024x2xf32, #tpu.memory_space<vmem>>, vector<1024x2xf32>,
    return
  }
  func.func @transform_0(%arg0: i32) -> (i32, i32) {
    %c0_i32 = arith.constant 0 : i32
    %c0_i32_0 = arith.constant 0 : i32
    return %arg0, %c0_i32 : i32, i32
  }
  func.func @transform_1(%arg0: i32) -> (i32, i32) {
    %c0_i32 = arith.constant 0 : i32
    %c0_i32_0 = arith.constant 0 : i32
    return %arg0, %c0_i32 : i32, i32
  }
  func.func @transform_2(%arg0: i32) -> (i32, i32) {
    %c0_i32 = arith.constant 0 : i32
    %c0_i32_0 = arith.constant 0 : i32
    %c0_i32_1 = arith.constant 0 : i32
    return %c0_i32, %c0_i32_0 : i32, i32
  }
  func.func @transform_3(%arg0: i32) -> (i32, i32) {
    %c0_i32 = arith.constant 0 : i32
    %c0_i32_0 = arith.constant 0 : i32
    %c0_i32_1 = arith.constant 0 : i32
    return %c0_i32, %c0_i32_0 : i32, i32
  }
  func.func @transform_4(%arg0: i32) -> (i32, i32) {
    %c0_i32 = arith.constant 0 : i32
    %c0_i32_0 = arith.constant 0 : i32
    %c0_i32_1 = arith.constant 0 : i32
    return %c0_i32, %c0_i32_0 : i32, i32
  }
  func.func @transform_5(%arg0: i32) -> (i32, i32) {
    %c0_i32 = arith.constant 0 : i32
    %c0_i32_0 = arith.constant 0 : i32
    %c0_i32_1 = arith.constant 0 : i32
    return %c0_i32, %c0_i32_0 : i32, i32
  }
  func.func @transform_6(%arg0: i32) -> (i32, i32) {
    %c0_i32 = arith.constant 0 : i32
    %c0_i32_0 = arith.constant 0 : i32
    %c0_i32_1 = arith.constant 0 : i32
    return %c0_i32, %c0_i32_0 : i32, i32
  }
  func.func @transform_7(%arg0: i32) -> (i32, i32) {
    %c0_i32 = arith.constant 0 : i32
    %c0_i32_0 = arith.constant 0 : i32
    return %arg0, %c0_i32 : i32, i32
  }
}

</mosaic_0001>

<sc_bundles>
// kernel: kernel.12.cloned.1.call-start
scs
__scs_entry_jumppad:
0x0: {  	(pc) =	sbr.rel $0x88, $3  }
0x1: {  	(tag) =	ssettag $0x0;
	lr =	simm.s32 $0x1  }
0x2: {  	[smem:$0x3F92] =	sst lr;
	_ =	strace $0xD0000000  }
0x3: {  	_ = 	snop  }
0x4: {  	_ = 	snop  }
0x5: {  	_ = 	snop  }
0x6: {  	_ = 	snop  }
0x7: {  	_ = 	snop  }
__scs_overlays_trampoline_lowered:
0x8: {  	[smem:$0x3FA1] =	sst s0  }
0x9: {  	[smem:$0x3FA2] =	sst s1  }
0xa: {  	[smem:$0x3FA3] =	sst s2  }
0xb: {  	[smem:$0x3FA4] =	sst s3  }
0xc: {  	[smem:$0x3FA5] =	sst s4  }
0xd: {  	[smem:$0x3FA6] =	sst s5  }
0xe: {  	[smem:$0x3FA7] =	sst s6  }
0xf: {  	[smem:$0x3FA8] =	sst s7  }
0x10: {  	[smem:$0x3FA9] =	sst s8  }
0x11: {  	[smem:$0x3FAA] =	sst s9;
	s0 =	simm.s32 @!p0 $0x0  }
0x12: {  	s1 =	sld [smem:$0x3F90];
	s0 =	simm.s32 @p0 $0x1  }
0x13: {  	[smem:$0x3FAB] =	sst s0;
	s0 =	simm.s32 @!p1 $0x0  }
0x14: {  	s2 =	sld [smem:$0x3F8F];
	s0 =	simm.s32 @p1 $0x1  }
0x15: {  	[smem:$0x3FAC] =	sst s0;
	s0 =	simm.s32 @!p2 $0x0  }
0x16: {  	s3 =	sld [smem:$0x3FDB];
	s0 =	simm.s32 @p2 $0x1  }
0x17: {  	s4 =	simm.s32 $0x1BF5;
	[smem:$0x3FAE] =	sst s0  }
0x18: {  	s0 =	sld [smem:$0x3F91];
	_ =	swait.ge [sflag:s4], $0x0  }
0x19: {  	s7 =	sld [smem:$0x3F92]  }
0x1a: {  	s8 =	sadd.s32 $0xFFFFE003, lr  }
0x1b: {  	s9 =	sadd.s32 $0xFFFFFEF7, lr;
	s5 =	simm.s32 $0xFFFFFFFF;
	p2 =	slt.u32 s8, $0xFFFFF086  }
0x1c: {  	p1 =	slt.u32 s9, $0xF7A;
	s5 =	simm.s32 @!p2 $0x0  }
0x1d: {  	s5 =	simm.s32 @p1 $0x1;
	p0 =	seq.s32 s7, s2  }
0x1e: {  	s7 =	smul.u32 @!p0 $0xF7A, s2;
	p2 =	seq.s32 @!p0 s5, $0x0  }
0x1f: {  	s9 =	smul.u32 $0xF7A, s1;
	s8 =	simm.s32 @!p0 $0x1BF5;
	p2 =	por !p2, p0  }
0x20: {  	[sflag:s8] =	ssyncset.s32 @!p0 $0xFFFFF086;
	s6 =	sadd.s32 @!p0 s3, s7;
	s7 =	simm.s32 @!p0 $0x108  }
0x21: {  	s3 =	sadd.s32 s3, s9;
	s6 =	sadd.s32 @!p0 $0x88, s6;
	s7 =	simm.s32 @p2 $0x1082  }
0x22: {  	[simem:s7], [sflag:s8] =	dma.local @!p0 [hbm:s6], $0xF7A  }
0x23: {  	s9 =	sor.u32 $0xD0000000, s2;
	s6 =	simm.s32 $0x108;
	_ =	swait.ge @!p0 [sflag:s8], $0x0  }
0x24: {  	s3 =	sadd.s32 $0x88, s3;
	s6 =	simm.s32 @!p1 $0x1082;
	[sflag:s4] =	ssyncset.s32 $0xFFFFF086  }
0x25: {  	[simem:s6], [sflag:s4] =	dma.local [hbm:s3], $0xF7A  }
0x26: {  	[smem:$0x3F92] =	sst s1;
	(tag) =	ssettag s2;
	_ =	strace s9  }
0x27: {  	s1 =	sld [smem:$0x3FA2]  }
0x28: {  	s2 =	sld [smem:$0x3FA3]  }
0x29: {  	s4 =	sld [smem:$0x3FA5]  }
0x2a: {  	p0 =	seq.s32 s5, $0x0;
	s5 =	sld [smem:$0x3FA6]  }
0x2b: {  	s6 =	sld [smem:$0x3FA7]  }
0x2c: {  	s7 =	sld [smem:$0x3FA8]  }
0x2d: {  	s3 =	simm.s32 $0x108;
	s8 =	sld [smem:$0x3FA9]  }
0x2e: {  	s3 =	simm.s32 @!p0 $0x1082;
	s9 =	sld [smem:$0x3FAA]  }
0x2f: {  	lr =	sadd.s32 s0, s3;
	s0 =	sld [smem:$0x3FA1]  }
0x30: {  	s3 =	sld [smem:$0x3FA4]  }
0x31: {  	[smem:$0x3FAD] =	sst s10  }
0x32: {  	s10 =	sld [smem:$0x3FAB];
	_ =	sdelay $0x3  }
0x33: {  	p0 =	seq.s32 s10, $0x1;
	s10 =	sld [smem:$0x3FAD];
	_ =	sdelay $0x3  }
0x34: {  	[smem:$0x3FAD] =	sst s10  }
0x35: {  	s10 =	sld [smem:$0x3FAC];
	_ =	sdelay $0x3  }
0x36: {  	p1 =	seq.s32 s10, $0x1;
	s10 =	sld [smem:$0x3FAD];
	_ =	sdelay $0x3  }
0x37: {  	[smem:$0x3FAD] =	sst s10  }
0x38: {  	s10 =	sld [smem:$0x3FAE]  }
0x39: {  	_ = 	snop;
	(pc) =	sbr.ind lr, $3  }
0x3a: {  	_ = 	snop  }
0x3b: {  	_ = 	snop  }
0x3c: {  	p2 =	seq.s32 s10, $0x1;
	s10 =	sld [smem:$0x3FAD]  }
0x3d: {  	_ =	shalt  }
0x3e: {  	_ =	shalt  }
0x3f: {  	_ =	shalt  }
0x40: {  	_ =	shalt  }
0x41: {  	_ =	shalt  }
0x42: {  	_ =	shalt  }
0x43: {  	_ =	shalt  }
0x44: {  	_ =	shalt  }
0x45: {  	_ =	shalt  }
0x46: {  	_ =	shalt  }
0x47: {  	_ =	shalt  }
0x48: {  	_ =	shalt  }
0x49: {  	_ =	shalt  }
0x4a: {  	_ =	shalt  }
0x4b: {  	_ =	shalt  }
0x4c: {  	_ =	shalt  }
0x4d: {  	_ =	shalt  }
0x4e: {  	_ =	shalt  }
0x4f: {  	_ =	shalt  }
0x50: {  	_ =	shalt  }
0x51: {  	_ =	shalt  }
0x52: {  	_ =	shalt  }
0x53: {  	_ =	shalt  }
0x54: {  	_ =	shalt  }
0x55: {  	_ =	shalt  }
0x56: {  	_ =	shalt  }
0x57: {  	_ =	shalt  }
0x58: {  	_ =	shalt  }
0x59: {  	_ =	shalt  }
0x5a: {  	_ =	shalt  }
0x5b: {  	_ =	shalt  }
0x5c: {  	_ =	shalt  }
0x5d: {  	_ =	shalt  }
0x5e: {  	_ =	shalt  }
0x5f: {  	_ =	shalt  }
0x60: {  	_ =	shalt  }
0x61: {  	_ =	shalt  }
0x62: {  	_ =	shalt  }
0x63: {  	_ =	shalt  }
0x64: {  	_ =	shalt  }
0x65: {  	_ =	shalt  }
0x66: {  	_ =	shalt  }
0x67: {  	_ =	shalt  }
0x68: {  	_ =	shalt  }
0x69: {  	_ =	shalt  }
0x6a: {  	_ =	shalt  }
0x6b: {  	_ =	shalt  }
0x6c: {  	_ =	shalt  }
0x6d: {  	_ =	shalt  }
0x6e: {  	_ =	shalt  }
0x6f: {  	_ =	shalt  }
0x70: {  	_ =	shalt  }
0x71: {  	_ =	shalt  }
0x72: {  	_ =	shalt  }
0x73: {  	_ =	shalt  }
0x74: {  	_ =	shalt  }
0x75: {  	_ =	shalt  }
0x76: {  	_ =	shalt  }
0x77: {  	_ =	shalt  }
0x78: {  	_ =	shalt  }
0x79: {  	_ =	shalt  }
0x7a: {  	_ =	shalt  }
0x7b: {  	_ =	shalt  }
0x7c: {  	_ =	shalt  }
0x7d: {  	_ =	shalt  }
0x7e: {  	_ =	shalt  }
0x7f: {  	_ =	shalt  }
0x80: {  	_ =	shalt  }
0x81: {  	_ =	shalt  }
0x82: {  	_ =	shalt  }
0x83: {  	_ =	shalt  }
0x84: {  	_ =	shalt  }
0x85: {  	_ =	shalt  }
0x86: {  	_ =	shalt  }
0x87: {  	_ =	shalt  }
.Lfunc_end0:
.L_simem_size_0:
called_computation.1_lowered:
.L_overlay_start_0:
0x88: {  	s2 =	sld [smem:$0x3FD9]  }
0x89: {  	s3 =	sld [smem:$0x3FFE];
	_ =	sdelay $0x1  }
0x8a: {  	s1 =	srdreg.scid  }
0x8b: {  	s0 =	sand.u32 $0x1, s1  }
0x8c: {  	s16 =	sshll.u32 s0, $0xA;
	s2 =	sadd.s32 s3, s2  }
0x8d: {  	s2 =	sadd.s32 s2, s16  }
0x8e: {  	[smem:$0x3FB9] =	sst s2  }
0x8f: {  	_ = 	snop  }
0x90: {  	(tm) =	ssettm $0x1  }
0x91: {  	s17 =	sld [smem:$0x3FFB];
	_ =	sdelay $0x3  }
0x92: {  	_ =	strace s17  }
0x93: {  	s2 =	sld [smem:$0x3FFC];
	_ =	sdelay $0x3  }
0x94: {  	_ =	strace s2  }
0x95: {  	s2 =	sld [smem:$0x3FFD];
	_ =	sdelay $0x3  }
0x96: {  	_ =	strace s2  }
0x97: {  	_ =	strace $0x8FFFFFFF  }
0x98: {  	s18 =	sld [smem:$0x3FDB];
	_ =	sdelay $0x1  }
0x99: {  	s19 =	simm.s32 $_scs_section_size  }
0x9a: {  	s4 =	simm.s32 $_size__tile_overlayer_lowered;
	s5 =	simm.s32 $_tile_overlayer_lowered  }
0x9b: {  	s22 =	simm.s32 $0x1BFF;
	s21 =	sshll.u32 s5, $0x1;
	s2 =	sadd.s32 s19, s18  }
0x9c: {  	s6 =	simm.s32 $0x0;
	s20 =	sshll.u32 s4, $0x1;
	s4 =	sadd.s32 s21, s2  }
0x9d: {  	[timem:s6], [sflag:s22] =	dma.local [hbm:s4], s20  }
0x9e: {  	_ =	swait.ge [sflag:s22], s20  }
0x9f: {  	s3 =	ssub.s32 $0x0, s20;
	[sflag:s22] =	ssyncset.done $0x0  }
0xa0: {  	[sflag:s22] =	ssyncadd.s32 s3;
	_ =	sdelay $0x1  }
0xa1: {  	s23 =	simm.s32 $0x1B8B  }
0xa2: {  	_ =	swait.ge [sflag:s23], $0x1  }
0xa3: {  	[sflag:s23] =	ssyncset.done $0x0  }
0xa4: {  	s25 =	simm.s32 $0x1B8E;
	s24 =	sld [smem:$0x3FFE];
	[sflag:s23] =	ssyncadd.s32 $0xFFFFFFFF  }
0xa5: {  	s26 =	simm.s32 $execute0_lowered;
	[smem:$0x3FD2] =	sst s25  }
0xa6: {  	s4 =	sshll.u32 s26, $0x1;
	_ =	strace $0x80000049;
	[dreg:$0x1] =	wrdreg $0xFFFFFFFF  }
0xa7: {  	s28 =	simm.s32 $_size_execute0_lowered;
	s2 =	sadd.s32 s2, s4;
	[dreg:$0x0] =	wrdreg $0x0  }
0xa8: {  	s4 =	sshll.u32 s28, $0x1;
	[dreg:$0x2] =	wrdreg s2  }
0xa9: {  	[dreg:$0x3] =	wrdreg s4  }
0xaa: {  	[dreg:$0x4] =	wrdreg $0xC0  }
0xab: {  	_ =	task [dreg:s6], $0x5FFFF  }
0xac: {  	[dreg:$0x1] =	wrdreg $0xFFFFFFFF  }
0xad: {  	[dreg:$0x0] =	wrdreg $0x60  }
0xae: {  	[dreg:$0x2] =	wrdreg s24  }
0xaf: {  	[dreg:$0x3] =	wrdreg $0x94000  }
0xb0: {  	[dreg:$0x4] =	wrdreg $0x9  }
0xb1: {  	_ =	task.clear_ibuf [dreg:s6], $0x5FFFF;
	_ =	strace $0x90000049  }
0xb2: {  	s29 =	simm.s32 $0x9;
	_ =	strace $0x8000004B  }
0xb3: {  	_ =	swait.ge [sflag:s29], $0x1  }
0xb4: {  	[sflag:s29] =	ssyncadd.s32 $0xFFFFFFFF  }
0xb5: {  	_ =	strace $0x9000004B  }
0xb6: {  	_ =	sfence  }
0xb7: {  	s30 =	sld [smem:$0x0];
	_ =	sdelay $0x2  }
0xb8: {  	s31 =	sshll.u32 s1, $0xD;
	s1 =	sshrl.u32 s1, $0x2  }
0xb9: {  	s3 =	sand.u32 $0x4000, s31;
	s1 =	sadd.s32 s1, s30  }
0xba: {  	s0 =	sor.u32 s3, s0;
	s1 =	sshll.u32 s1, $0x11  }
0xbb: {  	s0 =	sor.u32 s1, s0  }
0xbc: {  	s0 =	sadd.s32 $0x8F2B, s0  }
0xbd: {  	[sflag:s0] =	ssyncadd.remote.s32 $0x1  }
0xbe: {  	_ =	sfence.sel $0xFFFF  }
0xbf: {  	[dreg:$0x0] =	wrdreg $0xFFFFFFFF;
	(pc) =	sbr.abs _section_cstart, $3  }
0xc0: {  	[dreg:$0x1] =	wrdreg $0xFFFFFFFF  }
0xc1: {  	_ =	task.clear_ibuf [dreg:s6], $0x2FFFF;
	_ =	strace $0x9FFFFFFF  }
0xc2: {  	(tm) =	ssettm $0x7FFFFFFF  }
0xc3: {  	_ =	shalt  }
tec
execute0_lowered:
.L_overlay_start_1:
0x0: {  	(tag) =	ssettag $0x1  }
0x1: {  	s6 =	rddreg [dreg:$0x0]  }
0x2: {  	s0 =	srdreg.scid;
	s2 =	rddreg [dreg:$0x1]  }
0x3: {  	s1 =	stileid.u32;
	s3 =	simm.s32 $0x0;
	s17 =	simm.s32 $0x5800  }
0x4: {  	s18 =	simm.s32 $0x1;
	s7 =	sand.u32 $0x1, s0;
	s0 =	rddreg [dreg:$0x2]  }
0x5: {  	s19 =	simm.s32 $0x0;
	[smem:$0x7FF] =	sst s3;
	s9 =	smul.u32 $0x2700, s1  }
0x6: {  	s11 =	smul.u32 $0x4E000, s1;
	s12 =	sadd.s32 $0x43E00, s6;
	s16 =	sadd.s32 $0x138000, s2  }
0x7: {  	p0 =	sne.s32 s1, $0xF;
	s31 =	sshll.u32 s1, $0x6;
	s4 =	sshll.u32 s7, $0x4  }
0x8: {  	_ =	strace $0x8000004A;
	s10 =	ssub.s32 $0x2, s7;
	s13 =	smul.u32 $0x138800, s7  }
0x9: {  	s14 =	smul.u32 $0x27100, s7;
	s4 =	sor.u32 s1, s4;
	s25 =	sshrl.u32 s10, $0x1  }
0xa: {  	s26 =	sshrl.u32 s11, $0x2;
	s11 =	simm.s32 $0x2;
	s5 =	smul.u32 $0x580, s4  }
0xb: {  	s4 =	sadd.s32 $0x1A400, s6;
	s10 =	ssub.s32 s10, s25;
	s28 =	sshrl.u32 s13, $0x3  }
0xc: {  	s15 =	sadd.s32 s26, s2;
	s29 =	sadd.s32 s9, s14;
	s13 =	sor.u32 $0x1C02, s31  }
0xd: {  	s30 =	sadd.s32 s12, s28;
	s10 =	smax.u32 s10, $0x1;
	s14 =	sshrl.u32 s15, $0x3  }
0xe: {  	s15 =	sshrl.u32 @!p0 s16, $0x3;
	s16 =	simm.s32 $0x78;
	s8 =	sadd.s32 s5, s6  }
0xf: {  	s5 =	sadd.s32 $0x41600, s6;
	s9 =	sadd.s32 $0x27000, s30;
	s6 =	sadd.s32 $0xF400, s8  }
0x10: {  	s7 =	sadd.s32 $0x4400, s8;
	s8 =	sadd.s32 s12, s29;
	s12 =	simm.s32 $0x2C00  }
.LBB2_1:
0x11: {  	[tilespmem:s3], [sflag:$0x2] =	stream.linear.gather [hbm4b:s6+s3], $0x2A00, $0x38;
	[tilespmem:$0x1CD00] =	vst v63  }
0x12: {  	_ =	swait.ge [sflag:s11], $0x2A00  }
0x13: {  	[sflag:s11] =	ssyncset.done $0x0  }
0x14: {  	[sflag:s11] =	ssyncadd.s32 $0xFFFFD600  }
0x15: {  	[tilespmem:s12], [sflag:$0x2] =	stream.linear.gather [hbm4b:s7+s3], $0x2A00, $0x38;
	[tilespmem:$0x1CD00] =	vst v63  }
0x16: {  	_ =	swait.ge [sflag:s11], $0x2A00  }
0x17: {  	[sflag:s11] =	ssyncset.done $0x0  }
0x18: {  	[sflag:s11] =	ssyncadd.s32 $0xFFFFD600  }
0x19: {  	[spmem:s14], [sflag:s13] =	dma.local [hbm:s5], $0x2700  }
0x1a: {  	_ =	swait.ge [sflag:s11], $0x2700  }
0x1b: {  	[sflag:s11] =	ssyncset.done $0x0  }
0x1c: {  	s20 =	simm.s32 @!p0 $0x2;
	[sflag:s11] =	ssyncadd.s32 $0xFFFFD900  }
0x1d: {  	[spmem:s15], [sflag:s13] =	dma.local @!p0 [hbm:s5], $0x100  }
0x1e: {  	_ =	swait.ge @!p0 [sflag:s20], $0x100  }
0x1f: {  	[sflag:s20] =	ssyncset.done @!p0 $0x0  }
0x20: {  	[sflag:s20] =	ssyncadd.s32 @!p0 $0xFFFFFF00  }
0x21: {  	s30 =	simm.s32 $0x0;
	[bflag:$0x0] =	sbarrier.arrive $0xFFFF  }
0x22: {  	[tilespmem:s17], [sflag:$0x1] =	stream.indirect.gather [hbm4b:s4+s16], $0x80, s30, s16, $0xb8;
	[tilespmem:$0x1CD00] =	vst v63  }
0x23: {  	_ =	swait.ge [sflag:s18], $0x3C00  }
0x24: {  	[sflag:s18] =	ssyncset.done $0x0  }
0x25: {  	s31 =	simm.s32 $0x2C00;
	[sflag:s18] =	ssyncadd.s32 $0xFFFFC400  }
0x26: {  	[spmem:s2] =	stream.indirect.scatter.add.f32 [tilespmem:s17], [sflag:$0x2], $0x80, s31, s16, $0xb8;
	[tilespmem:$0x1CD00] =	vst v63  }
0x27: {  	_ =	swait.ge [sflag:s11], $0x3C00  }
0x28: {  	s21 =	simm.s32 $0x400;
	s20 =	simm.s32 $0x200;
	[sflag:s11] =	ssyncset.done $0x0  }
.LBB2_2:
0x29: {  	s22 =	sshra.s32 s20, $0x2  }
0x2a: {  	[sflag:s11] =	ssyncadd.s32 $0xFFFFC400;
	s20 =	smov.u32 s21;
	s23 =	sadd.s32 $0x200, s21  }
0x2b: {  	[tilespmem:s17], [sflag:$0x1] =	stream.indirect.gather [hbm4b:s4+s16], $0x80, s22, s16, $0xb8;
	[tilespmem:$0x1CD00] =	vst v63  }
0x2c: {  	p1 =	sne.s32 s21, $0xA600;
	_ =	swait.ge [sflag:s18], $0x3C00  }
.Ltmp0:
0x2d: {  	[sflag:s18] =	ssyncset.done $0x0;
	(pc) =	sbr.rel @p1 .LBB2_2-.Ltmp0, $4  }
0x2e: {  	s21 =	sadd.s32 $0x2C00, s22;
	[sflag:s18] =	ssyncadd.s32 $0xFFFFC400  }
0x2f: {  	[spmem:s2] =	stream.indirect.scatter.add.f32 [tilespmem:s17], [sflag:$0x2], $0x80, s21, s16, $0xb8;
	[tilespmem:$0x1CD00] =	vst v63  }
0x30: {  	_ =	swait.ge [sflag:s11], $0x3C00  }
0x31: {  	s21 =	smov.u32 s23;
	[sflag:s11] =	ssyncset.done $0x0  }
0x32: {  	s20 =	sshra.s32 s20, $0x2;
	[sflag:s11] =	ssyncadd.s32 $0xFFFFC400  }
0x33: {  	[tilespmem:s17], [sflag:$0x1] =	stream.indirect.gather [hbm4b:s4+s16], $0x80, s20, s16, $0xb8;
	[tilespmem:$0x1CD00] =	vst v63  }
0x34: {  	_ =	swait.ge [sflag:s18], $0x3C00  }
0x35: {  	[sflag:s18] =	ssyncset.done $0x0  }
0x36: {  	s20 =	sadd.s32 $0x2C00, s20;
	[sflag:s18] =	ssyncadd.s32 $0xFFFFC400  }
0x37: {  	[spmem:s2] =	stream.indirect.scatter.add.f32 [tilespmem:s17], [sflag:$0x2], $0x80, s20, s16, $0xb8;
	[tilespmem:$0x1CD00] =	vst v63  }
0x38: {  	_ =	swait.ge [sflag:s11], $0x3C00  }
0x39: {  	[sflag:s11] =	ssyncset.done $0x0  }
0x3a: {  	[sflag:s11] =	ssyncadd.s32 $0xFFFFC400  }
0x3b: {  	[bflag:$0x0] =	sbarrier.arrive $0xFFFF  }
0x3c: {  	[hbm:s8], [sflag:s13] =	dma.local [spmem:s14], $0x2700  }
0x3d: {  	s19 =	sadd.s32 $0x1, s19;
	_ =	swait.ge [sflag:s11], $0x2700  }
0x3e: {  	p1 =	sne.s32 s19, s10;
	[sflag:s11] =	ssyncset.done $0x0  }
.Ltmp1:
0x3f: {  	s20 =	simm.s32 @!p0 $0x2;
	[sflag:s11] =	ssyncadd.s32 $0xFFFFD900;
	(pc) =	sbr.rel @p1 .LBB2_1-.Ltmp1, $4  }
0x40: {  	[hbm:s9], [sflag:s13] =	dma.local @!p0 [spmem:s15], $0x100  }
0x41: {  	_ =	swait.ge @!p0 [sflag:s20], $0x100  }
0x42: {  	[sflag:s20] =	ssyncset.done @!p0 $0x0  }
0x43: {  	[sflag:s20] =	ssyncadd.s32 @!p0 $0xFFFFFF00  }
0x44: {  	_ =	sfence.sel $0x180000  }
0x45: {  	[bflag:$0x0] =	sbarrier.arrive $0xFFFF  }
0x46: {  	p0 =	sne.s32 s1, $0x0;
	_ =	strace $0x9000004A  }
0x47: {  	s0 =	sadd.s32 @!p0 $0x100000, s0;
	[bflag:$0x2] =	sbarrier.arrive $0xFFFF  }
0x48: {  	[sflag:s0] =	ssyncadd.tile.s32 @!p0 $0x1;
	_ =	shalt  }
.Lfunc_end2:
_tile_overlayer_lowered:
.L_overlay_start_2:
0x49: {  	(tag) =	ssettag $0x2  }
0x4a: {  	s0 =	rddreg [dreg:$0x0];
	s2 =	stileid.u32  }
0x4b: {  	s1 =	rddreg [dreg:$0x1];
	p0 =	sne.s32 s2, $0x0  }
0x4c: {  	s3 =	rddreg [dreg:$0x2];
	[bflag:$0x3] =	sbarrier.arrive $0xFFFF;
	s2 =	simm.s32 @!p0 $0x1C02  }
0x4d: {  	[timem:s3], [sflag:s2] =	dma.local @!p0 [hbm:s0], s1  }
0x4e: {  	s0 =	simm.s32 @!p0 $0x2  }
0x4f: {  	_ =	swait.ge @!p0 [sflag:s0], s1  }
0x50: {  	s1 =	ssub.s32 @!p0 $0x0, s1;
	[sflag:s0] =	ssyncset.done @!p0 $0x0  }
0x51: {  	[sflag:s0] =	ssyncadd.s32 @!p0 s1  }
0x52: {  	[bflag:$0x3] =	sbarrier.arrive $0xFFFF  }
0x53: {  	_ =	shalt  }

// kernel: kernel.15.cloned.1.call-start
scs
__scs_entry_jumppad:
0x0: {  	(pc) =	sbr.rel $0x88, $3  }
0x1: {  	(tag) =	ssettag $0x0;
	lr =	simm.s32 $0x1  }
0x2: {  	[smem:$0x3F92] =	sst lr;
	_ =	strace $0xD0000000  }
0x3: {  	_ = 	snop  }
0x4: {  	_ = 	snop  }
0x5: {  	_ = 	snop  }
0x6: {  	_ = 	snop  }
0x7: {  	_ = 	snop  }
__scs_overlays_trampoline_lowered:
0x8: {  	[smem:$0x3FA1] =	sst s0  }
0x9: {  	[smem:$0x3FA2] =	sst s1  }
0xa: {  	[smem:$0x3FA3] =	sst s2  }
0xb: {  	[smem:$0x3FA4] =	sst s3  }
0xc: {  	[smem:$0x3FA5] =	sst s4  }
0xd: {  	[smem:$0x3FA6] =	sst s5  }
0xe: {  	[smem:$0x3FA7] =	sst s6  }
0xf: {  	[smem:$0x3FA8] =	sst s7  }
0x10: {  	[smem:$0x3FA9] =	sst s8  }
0x11: {  	[smem:$0x3FAA] =	sst s9;
	s0 =	simm.s32 @!p0 $0x0  }
0x12: {  	s1 =	sld [smem:$0x3F90];
	s0 =	simm.s32 @p0 $0x1  }
0x13: {  	[smem:$0x3FAB] =	sst s0;
	s0 =	simm.s32 @!p1 $0x0  }
0x14: {  	s2 =	sld [smem:$0x3F8F];
	s0 =	simm.s32 @p1 $0x1  }
0x15: {  	[smem:$0x3FAC] =	sst s0;
	s0 =	simm.s32 @!p2 $0x0  }
0x16: {  	s3 =	sld [smem:$0x3FDB];
	s0 =	simm.s32 @p2 $0x1  }
0x17: {  	s4 =	simm.s32 $0x1BF5;
	[smem:$0x3FAE] =	sst s0  }
0x18: {  	s0 =	sld [smem:$0x3F91];
	_ =	swait.ge [sflag:s4], $0x0  }
0x19: {  	s7 =	sld [smem:$0x3F92]  }
0x1a: {  	s8 =	sadd.s32 $0xFFFFE003, lr  }
0x1b: {  	s9 =	sadd.s32 $0xFFFFFEF7, lr;
	s5 =	simm.s32 $0xFFFFFFFF;
	p2 =	slt.u32 s8, $0xFFFFF086  }
0x1c: {  	p1 =	slt.u32 s9, $0xF7A;
	s5 =	simm.s32 @!p2 $0x0  }
0x1d: {  	s5 =	simm.s32 @p1 $0x1;
	p0 =	seq.s32 s7, s2  }
0x1e: {  	s7 =	smul.u32 @!p0 $0xF7A, s2;
	p2 =	seq.s32 @!p0 s5, $0x0  }
0x1f: {  	s9 =	smul.u32 $0xF7A, s1;
	s8 =	simm.s32 @!p0 $0x1BF5;
	p2 =	por !p2, p0  }
0x20: {  	[sflag:s8] =	ssyncset.s32 @!p0 $0xFFFFF086;
	s6 =	sadd.s32 @!p0 s3, s7;
	s7 =	simm.s32 @!p0 $0x108  }
0x21: {  	s3 =	sadd.s32 s3, s9;
	s6 =	sadd.s32 @!p0 $0x88, s6;
	s7 =	simm.s32 @p2 $0x1082  }
0x22: {  	[simem:s7], [sflag:s8] =	dma.local @!p0 [hbm:s6], $0xF7A  }
0x23: {  	s9 =	sor.u32 $0xD0000000, s2;
	s6 =	simm.s32 $0x108;
	_ =	swait.ge @!p0 [sflag:s8], $0x0  }
0x24: {  	s3 =	sadd.s32 $0x88, s3;
	s6 =	simm.s32 @!p1 $0x1082;
	[sflag:s4] =	ssyncset.s32 $0xFFFFF086  }
0x25: {  	[simem:s6], [sflag:s4] =	dma.local [hbm:s3], $0xF7A  }
0x26: {  	[smem:$0x3F92] =	sst s1;
	(tag) =	ssettag s2;
	_ =	strace s9  }
0x27: {  	s1 =	sld [smem:$0x3FA2]  }
0x28: {  	s2 =	sld [smem:$0x3FA3]  }
0x29: {  	s4 =	sld [smem:$0x3FA5]  }
0x2a: {  	p0 =	seq.s32 s5, $0x0;
	s5 =	sld [smem:$0x3FA6]  }
0x2b: {  	s6 =	sld [smem:$0x3FA7]  }
0x2c: {  	s7 =	sld [smem:$0x3FA8]  }
0x2d: {  	s3 =	simm.s32 $0x108;
	s8 =	sld [smem:$0x3FA9]  }
0x2e: {  	s3 =	simm.s32 @!p0 $0x1082;
	s9 =	sld [smem:$0x3FAA]  }
0x2f: {  	lr =	sadd.s32 s0, s3;
	s0 =	sld [smem:$0x3FA1]  }
0x30: {  	s3 =	sld [smem:$0x3FA4]  }
0x31: {  	[smem:$0x3FAD] =	sst s10  }
0x32: {  	s10 =	sld [smem:$0x3FAB];
	_ =	sdelay $0x3  }
0x33: {  	p0 =	seq.s32 s10, $0x1;
	s10 =	sld [smem:$0x3FAD];
	_ =	sdelay $0x3  }
0x34: {  	[smem:$0x3FAD] =	sst s10  }
0x35: {  	s10 =	sld [smem:$0x3FAC];
	_ =	sdelay $0x3  }
0x36: {  	p1 =	seq.s32 s10, $0x1;
	s10 =	sld [smem:$0x3FAD];
	_ =	sdelay $0x3  }
0x37: {  	[smem:$0x3FAD] =	sst s10  }
0x38: {  	s10 =	sld [smem:$0x3FAE]  }
0x39: {  	_ = 	snop;
	(pc) =	sbr.ind lr, $3  }
0x3a: {  	_ = 	snop  }
0x3b: {  	_ = 	snop  }
0x3c: {  	p2 =	seq.s32 s10, $0x1;
	s10 =	sld [smem:$0x3FAD]  }
0x3d: {  	_ =	shalt  }
0x3e: {  	_ =	shalt  }
0x3f: {  	_ =	shalt  }
0x40: {  	_ =	shalt  }
0x41: {  	_ =	shalt  }
0x42: {  	_ =	shalt  }
0x43: {  	_ =	shalt  }
0x44: {  	_ =	shalt  }
0x45: {  	_ =	shalt  }
0x46: {  	_ =	shalt  }
0x47: {  	_ =	shalt  }
0x48: {  	_ =	shalt  }
0x49: {  	_ =	shalt  }
0x4a: {  	_ =	shalt  }
0x4b: {  	_ =	shalt  }
0x4c: {  	_ =	shalt  }
0x4d: {  	_ =	shalt  }
0x4e: {  	_ =	shalt  }
0x4f: {  	_ =	shalt  }
0x50: {  	_ =	shalt  }
0x51: {  	_ =	shalt  }
0x52: {  	_ =	shalt  }
0x53: {  	_ =	shalt  }
0x54: {  	_ =	shalt  }
0x55: {  	_ =	shalt  }
0x56: {  	_ =	shalt  }
0x57: {  	_ =	shalt  }
0x58: {  	_ =	shalt  }
0x59: {  	_ =	shalt  }
0x5a: {  	_ =	shalt  }
0x5b: {  	_ =	shalt  }
0x5c: {  	_ =	shalt  }
0x5d: {  	_ =	shalt  }
0x5e: {  	_ =	shalt  }
0x5f: {  	_ =	shalt  }
0x60: {  	_ =	shalt  }
0x61: {  	_ =	shalt  }
0x62: {  	_ =	shalt  }
0x63: {  	_ =	shalt  }
0x64: {  	_ =	shalt  }
0x65: {  	_ =	shalt  }
0x66: {  	_ =	shalt  }
0x67: {  	_ =	shalt  }
0x68: {  	_ =	shalt  }
0x69: {  	_ =	shalt  }
0x6a: {  	_ =	shalt  }
0x6b: {  	_ =	shalt  }
0x6c: {  	_ =	shalt  }
0x6d: {  	_ =	shalt  }
0x6e: {  	_ =	shalt  }
0x6f: {  	_ =	shalt  }
0x70: {  	_ =	shalt  }
0x71: {  	_ =	shalt  }
0x72: {  	_ =	shalt  }
0x73: {  	_ =	shalt  }
0x74: {  	_ =	shalt  }
0x75: {  	_ =	shalt  }
0x76: {  	_ =	shalt  }
0x77: {  	_ =	shalt  }
0x78: {  	_ =	shalt  }
0x79: {  	_ =	shalt  }
0x7a: {  	_ =	shalt  }
0x7b: {  	_ =	shalt  }
0x7c: {  	_ =	shalt  }
0x7d: {  	_ =	shalt  }
0x7e: {  	_ =	shalt  }
0x7f: {  	_ =	shalt  }
0x80: {  	_ =	shalt  }
0x81: {  	_ =	shalt  }
0x82: {  	_ =	shalt  }
0x83: {  	_ =	shalt  }
0x84: {  	_ =	shalt  }
0x85: {  	_ =	shalt  }
0x86: {  	_ =	shalt  }
0x87: {  	_ =	shalt  }
.Lfunc_end0:
.L_simem_size_0:
called_computation.2_lowered:
.L_overlay_start_0:
0x88: {  	s2 =	sld [smem:$0x3FD9]  }
0x89: {  	s3 =	sld [smem:$0x3FFE];
	_ =	sdelay $0x1  }
0x8a: {  	s1 =	srdreg.scid  }
0x8b: {  	s0 =	sand.u32 $0x1, s1  }
0x8c: {  	s17 =	sshll.u32 s0, $0xA;
	s2 =	sadd.s32 s3, s2  }
0x8d: {  	s2 =	sadd.s32 s2, s17  }
0x8e: {  	[smem:$0x3FB9] =	sst s2  }
0x8f: {  	_ = 	snop  }
0x90: {  	s2 =	sld [smem:$0x3FD0];
	(tm) =	ssettm $0x1  }
0x91: {  	s18 =	sld [smem:$0x3FFB];
	_ =	sdelay $0x3  }
0x92: {  	_ =	strace s18  }
0x93: {  	s3 =	sld [smem:$0x3FFC];
	_ =	sdelay $0x3  }
0x94: {  	_ =	strace s3  }
0x95: {  	s3 =	sld [smem:$0x3FFD];
	_ =	sdelay $0x3  }
0x96: {  	_ =	strace s3  }
0x97: {  	_ =	strace $0x8FFFFFFF  }
0x98: {  	s19 =	sld [smem:$0x3FDB];
	_ =	sdelay $0x1  }
0x99: {  	s4 =	simm.s32 $_scs_section_size  }
0x9a: {  	s5 =	simm.s32 $_size__tile_overlayer_lowered;
	s6 =	simm.s32 $_tile_overlayer_lowered  }
0x9b: {  	s22 =	simm.s32 $0x1BFF;
	s21 =	sshll.u32 s6, $0x1;
	s3 =	sadd.s32 s4, s19  }
0x9c: {  	s7 =	simm.s32 $0x0;
	s20 =	sshll.u32 s5, $0x1;
	s5 =	sadd.s32 s21, s3  }
0x9d: {  	[timem:s7], [sflag:s22] =	dma.local [hbm:s5], s20  }
0x9e: {  	_ =	swait.ge [sflag:s22], s20  }
0x9f: {  	s4 =	ssub.s32 $0x0, s20;
	[sflag:s22] =	ssyncset.done $0x0  }
0xa0: {  	[sflag:s22] =	ssyncadd.s32 s4;
	_ =	sdelay $0x1  }
0xa1: {  	s23 =	simm.s32 $0x1B8B  }
0xa2: {  	_ =	swait.ge [sflag:s23], $0x1  }
0xa3: {  	[sflag:s23] =	ssyncset.done $0x0  }
0xa4: {  	s25 =	simm.s32 $0x1B8E;
	s24 =	sld [smem:$0x3FFE];
	[sflag:s23] =	ssyncadd.s32 $0xFFFFFFFF  }
0xa5: {  	s26 =	simm.s32 $execute0_lowered;
	[smem:$0x3FD2] =	sst s25  }
0xa6: {  	s5 =	sshll.u32 s26, $0x1;
	_ =	strace $0x8000004C;
	[dreg:$0x1] =	wrdreg $0xFFFFFFFF  }
0xa7: {  	s28 =	simm.s32 $_size_execute0_lowered;
	s3 =	sadd.s32 s3, s5;
	[dreg:$0x0] =	wrdreg $0x0  }
0xa8: {  	s5 =	sshll.u32 s28, $0x1;
	[dreg:$0x2] =	wrdreg s3  }
0xa9: {  	[dreg:$0x3] =	wrdreg s5  }
0xaa: {  	[dreg:$0x4] =	wrdreg $0xC0  }
0xab: {  	_ =	task [dreg:s7], $0x5FFFF  }
0xac: {  	[dreg:$0x1] =	wrdreg $0xFFFFFFFF  }
0xad: {  	[dreg:$0x0] =	wrdreg $0x60  }
0xae: {  	[dreg:$0x2] =	wrdreg s24  }
0xaf: {  	[dreg:$0x3] =	wrdreg s2  }
0xb0: {  	[dreg:$0x4] =	wrdreg $0x9  }
0xb1: {  	_ =	task.clear_ibuf [dreg:s7], $0x5FFFF;
	_ =	strace $0x9000004C  }
0xb2: {  	s29 =	simm.s32 $0x9;
	_ =	strace $0x8000004E  }
0xb3: {  	_ =	swait.ge [sflag:s29], $0x1  }
0xb4: {  	[sflag:s29] =	ssyncadd.s32 $0xFFFFFFFF  }
0xb5: {  	_ =	strace $0x9000004E  }
0xb6: {  	_ =	sfence  }
0xb7: {  	s30 =	sld [smem:$0x0];
	_ =	sdelay $0x2  }
0xb8: {  	s31 =	sshll.u32 s1, $0xD;
	s1 =	sshrl.u32 s1, $0x2  }
0xb9: {  	s3 =	sand.u32 $0x4000, s31;
	s1 =	sadd.s32 s1, s30  }
0xba: {  	s0 =	sor.u32 s3, s0;
	s1 =	sshll.u32 s1, $0x11  }
0xbb: {  	s0 =	sor.u32 s1, s0  }
0xbc: {  	s0 =	sadd.s32 $0x8F2B, s0  }
0xbd: {  	[sflag:s0] =	ssyncadd.remote.s32 $0x1  }
0xbe: {  	_ =	sfence.sel $0xFFFF  }
0xbf: {  	[dreg:$0x0] =	wrdreg $0xFFFFFFFF;
	(pc) =	sbr.abs _section_cstart, $3  }
0xc0: {  	[dreg:$0x1] =	wrdreg $0xFFFFFFFF  }
0xc1: {  	_ =	task.clear_ibuf [dreg:s7], $0x2FFFF;
	_ =	strace $0x9FFFFFFF  }
0xc2: {  	(tm) =	ssettm $0x7FFFFFFF  }
0xc3: {  	_ =	shalt  }
tec
execute0_lowered:
.L_overlay_start_1:
0x0: {  	(tag) =	ssettag $0x1  }
0x1: {  	s1 =	srdreg.scid  }
0x2: {  	s9 =	rddreg [dreg:$0x0];
	s0 =	stileid.u32;
	s10 =	sand.u32 $0x1, s1  }
0x3: {  	s3 =	rddreg [dreg:$0x1];
	s5 =	sshll.u32 s0, $0x8;
	s4 =	sshll.u32 s10, $0xC  }
0x4: {  	s2 =	simm.s32 $0x0;
	s1 =	rddreg [dreg:$0x2];
	s11 =	sor.u32 s5, s4  }
0x5: {  	[smem:$0x7FF] =	sst s2;
	s4 =	sshrl.u32 s11, $0x3  }
0x6: {  	_ =	strace $0x8000004D;
	s4 =	sadd.s32 s3, s4;
	s3 =	simm.s32 $0x2  }
0x7: {  	[tilespmem:s2], [sflag:$0x2] =	stream.linear.gather [hbm4b:s4+s2], $0x100, $0x38;
	[tilespmem:$0x4100] =	vst v63  }
0x8: {  	_ =	swait.ge [sflag:s3], $0x100  }
0x9: {  	s6 =	simm.s32 $0x80;
	s7 =	simm.s32 $0x100;
	[sflag:s3] =	ssyncset.done $0x0  }
0xa: {  	s8 =	simm.s32 $0x1;
	s5 =	sadd.s32 $0x4400, s9;
	[sflag:s3] =	ssyncadd.s32 $0xFFFFFF00  }
0xb: {  	[tilespmem:s7], [sflag:$0x1] =	stream.indirect.gather [hbm4b:s5+s6], $0x80, s2, s6, $0xb8;
	[tilespmem:$0x4100] =	vst v63  }
0xc: {  	s11 =	sshll.u32 s11, $0x4;
	_ =	swait.ge [sflag:s8], $0x4000  }
0xd: {  	s11 =	sadd.s32 s11, s9;
	[sflag:s8] =	ssyncset.done $0x0  }
0xe: {  	s10 =	ssub.s32 $0x2, s10;
	s9 =	sadd.s32 $0x2B600, s11;
	[sflag:s8] =	ssyncadd.s32 $0xFFFFC000  }
0xf: {  	[hbm4b:s9+s2] =	stream.linear.scatter [tilespmem:s7], [sflag:$0x2], $0x4000, $0x38;
	[tilespmem:$0x4100] =	vst v63  }
0x10: {  	s12 =	sshrl.u32 s10, $0x1;
	_ =	swait.ge [sflag:s3], $0x4000  }
0x11: {  	s12 =	ssub.s32 s10, s12;
	[sflag:s3] =	ssyncset.done $0x0  }
0x12: {  	s31 =	smax.u32 s12, $0x1;
	[sflag:s3] =	ssyncadd.s32 $0xFFFFC000  }
0x13: {  	[tilespmem:s7], [sflag:$0x1] =	stream.indirect.gather [hbm4b:s5+s6], $0x80, s6, s6, $0xb8;
	[tilespmem:$0x4100] =	vst v63  }
0x14: {  	p0 =	sne.s32 s31, $0x1;
	_ =	swait.ge [sflag:s8], $0x4000  }
.Ltmp0:
0x15: {  	[sflag:s8] =	ssyncset.done $0x0;
	(pc) =	sbr.rel @!p0 .LBB2_2-.Ltmp0, $4  }
0x16: {  	s10 =	sadd.s32 $0x2BE00, s11;
	[sflag:s8] =	ssyncadd.s32 $0xFFFFC000  }
0x17: {  	[hbm4b:s10+s2] =	stream.linear.scatter [tilespmem:s7], [sflag:$0x2], $0x4000, $0x38;
	[tilespmem:$0x4100] =	vst v63  }
0x18: {  	_ =	swait.ge [sflag:s3], $0x4000  }
0x19: {  	s11 =	sadd.s32 $0xFFFFFFFF, s31;
	[sflag:s3] =	ssyncset.done $0x0  }
.LBB2_1:
0x1a: {  	p0 =	sne.s32 s11, $0x1;
	s11 =	sadd.s32 $0xFFFFFFFF, s11;
	[sflag:s3] =	ssyncadd.s32 $0xFFFFC000  }
0x1b: {  	[tilespmem:s2], [sflag:$0x2] =	stream.linear.gather [hbm4b:s4+s2], $0x100, $0x38;
	[tilespmem:$0x4100] =	vst v63  }
0x1c: {  	_ =	swait.ge [sflag:s3], $0x100  }
0x1d: {  	[sflag:s3] =	ssyncset.done $0x0  }
0x1e: {  	[sflag:s3] =	ssyncadd.s32 $0xFFFFFF00  }
0x1f: {  	[tilespmem:s7], [sflag:$0x1] =	stream.indirect.gather [hbm4b:s5+s6], $0x80, s2, s6, $0xb8;
	[tilespmem:$0x4100] =	vst v63  }
0x20: {  	_ =	swait.ge [sflag:s8], $0x4000  }
0x21: {  	[sflag:s8] =	ssyncset.done $0x0  }
0x22: {  	[sflag:s8] =	ssyncadd.s32 $0xFFFFC000  }
0x23: {  	[hbm4b:s9+s2] =	stream.linear.scatter [tilespmem:s7], [sflag:$0x2], $0x4000, $0x38;
	[tilespmem:$0x4100] =	vst v63  }
0x24: {  	_ =	swait.ge [sflag:s3], $0x4000  }
0x25: {  	[sflag:s3] =	ssyncset.done $0x0  }
0x26: {  	[sflag:s3] =	ssyncadd.s32 $0xFFFFC000  }
0x27: {  	[tilespmem:s7], [sflag:$0x1] =	stream.indirect.gather [hbm4b:s5+s6], $0x80, s6, s6, $0xb8;
	[tilespmem:$0x4100] =	vst v63  }
0x28: {  	_ =	swait.ge [sflag:s8], $0x4000  }
.Ltmp1:
0x29: {  	[sflag:s8] =	ssyncset.done $0x0;
	(pc) =	sbr.rel @p0 .LBB2_1-.Ltmp1, $4  }
0x2a: {  	[sflag:s8] =	ssyncadd.s32 $0xFFFFC000  }
0x2b: {  	[hbm4b:s10+s2] =	stream.linear.scatter [tilespmem:s7], [sflag:$0x2], $0x4000, $0x38;
	[tilespmem:$0x4100] =	vst v63  }
0x2c: {  	_ =	swait.ge [sflag:s3], $0x4000  }
0x2d: {  	[sflag:s3] =	ssyncset.done $0x0  }
.LBB2_2:
0x2e: {  	[sflag:s3] =	ssyncadd.s32 $0xFFFFC000  }
0x2f: {  	_ =	sfence.sel $0x180000  }
0x30: {  	[bflag:$0x0] =	sbarrier.arrive $0xFFFF  }
0x31: {  	p0 =	sne.s32 s0, $0x0;
	_ =	strace $0x9000004D  }
0x32: {  	s0 =	sadd.s32 @!p0 $0x100000, s1;
	[bflag:$0x2] =	sbarrier.arrive $0xFFFF  }
0x33: {  	[sflag:s0] =	ssyncadd.tile.s32 @!p0 $0x1;
	_ =	shalt  }
.Lfunc_end2:
_tile_overlayer_lowered:
.L_overlay_start_2:
0x34: {  	(tag) =	ssettag $0x2  }
0x35: {  	s0 =	rddreg [dreg:$0x0];
	s2 =	stileid.u32  }
0x36: {  	s1 =	rddreg [dreg:$0x1];
	p0 =	sne.s32 s2, $0x0  }
0x37: {  	s3 =	rddreg [dreg:$0x2];
	[bflag:$0x3] =	sbarrier.arrive $0xFFFF;
	s2 =	simm.s32 @!p0 $0x1C02  }
0x38: {  	[timem:s3], [sflag:s2] =	dma.local @!p0 [hbm:s0], s1  }
0x39: {  	s0 =	simm.s32 @!p0 $0x2  }
0x3a: {  	_ =	swait.ge @!p0 [sflag:s0], s1  }
0x3b: {  	s1 =	ssub.s32 @!p0 $0x0, s1;
	[sflag:s0] =	ssyncset.done @!p0 $0x0  }
0x3c: {  	[sflag:s0] =	ssyncadd.s32 @!p0 s1  }
0x3d: {  	[bflag:$0x3] =	sbarrier.arrive $0xFFFF  }
0x3e: {  	_ =	shalt  }

// kernel: kernel.9.cloned.1.call-start
scs
__scs_entry_jumppad:
0x0: {  	(pc) =	sbr.rel $0x88, $3  }
0x1: {  	(tag) =	ssettag $0x0;
	lr =	simm.s32 $0x1  }
0x2: {  	[smem:$0x3F92] =	sst lr;
	_ =	strace $0xD0000000  }
0x3: {  	_ = 	snop  }
0x4: {  	_ = 	snop  }
0x5: {  	_ = 	snop  }
0x6: {  	_ = 	snop  }
0x7: {  	_ = 	snop  }
__scs_overlays_trampoline_lowered:
0x8: {  	[smem:$0x3FA1] =	sst s0  }
0x9: {  	[smem:$0x3FA2] =	sst s1  }
0xa: {  	[smem:$0x3FA3] =	sst s2  }
0xb: {  	[smem:$0x3FA4] =	sst s3  }
0xc: {  	[smem:$0x3FA5] =	sst s4  }
0xd: {  	[smem:$0x3FA6] =	sst s5  }
0xe: {  	[smem:$0x3FA7] =	sst s6  }
0xf: {  	[smem:$0x3FA8] =	sst s7  }
0x10: {  	[smem:$0x3FA9] =	sst s8  }
0x11: {  	[smem:$0x3FAA] =	sst s9;
	s0 =	simm.s32 @!p0 $0x0  }
0x12: {  	s1 =	sld [smem:$0x3F90];
	s0 =	simm.s32 @p0 $0x1  }
0x13: {  	[smem:$0x3FAB] =	sst s0;
	s0 =	simm.s32 @!p1 $0x0  }
0x14: {  	s2 =	sld [smem:$0x3F8F];
	s0 =	simm.s32 @p1 $0x1  }
0x15: {  	[smem:$0x3FAC] =	sst s0;
	s0 =	simm.s32 @!p2 $0x0  }
0x16: {  	s3 =	sld [smem:$0x3FDB];
	s0 =	simm.s32 @p2 $0x1  }
0x17: {  	s4 =	simm.s32 $0x1BF5;
	[smem:$0x3FAE] =	sst s0  }
0x18: {  	s0 =	sld [smem:$0x3F91];
	_ =	swait.ge [sflag:s4], $0x0  }
0x19: {  	s7 =	sld [smem:$0x3F92]  }
0x1a: {  	s8 =	sadd.s32 $0xFFFFE003, lr  }
0x1b: {  	s9 =	sadd.s32 $0xFFFFFEF7, lr;
	s5 =	simm.s32 $0xFFFFFFFF;
	p2 =	slt.u32 s8, $0xFFFFF086  }
0x1c: {  	p1 =	slt.u32 s9, $0xF7A;
	s5 =	simm.s32 @!p2 $0x0  }
0x1d: {  	s5 =	simm.s32 @p1 $0x1;
	p0 =	seq.s32 s7, s2  }
0x1e: {  	s7 =	smul.u32 @!p0 $0xF7A, s2;
	p2 =	seq.s32 @!p0 s5, $0x0  }
0x1f: {  	s9 =	smul.u32 $0xF7A, s1;
	s8 =	simm.s32 @!p0 $0x1BF5;
	p2 =	por !p2, p0  }
0x20: {  	[sflag:s8] =	ssyncset.s32 @!p0 $0xFFFFF086;
	s6 =	sadd.s32 @!p0 s3, s7;
	s7 =	simm.s32 @!p0 $0x108  }
0x21: {  	s3 =	sadd.s32 s3, s9;
	s6 =	sadd.s32 @!p0 $0x88, s6;
	s7 =	simm.s32 @p2 $0x1082  }
0x22: {  	[simem:s7], [sflag:s8] =	dma.local @!p0 [hbm:s6], $0xF7A  }
0x23: {  	s9 =	sor.u32 $0xD0000000, s2;
	s6 =	simm.s32 $0x108;
	_ =	swait.ge @!p0 [sflag:s8], $0x0  }
0x24: {  	s3 =	sadd.s32 $0x88, s3;
	s6 =	simm.s32 @!p1 $0x1082;
	[sflag:s4] =	ssyncset.s32 $0xFFFFF086  }
0x25: {  	[simem:s6], [sflag:s4] =	dma.local [hbm:s3], $0xF7A  }
0x26: {  	[smem:$0x3F92] =	sst s1;
	(tag) =	ssettag s2;
	_ =	strace s9  }
0x27: {  	s1 =	sld [smem:$0x3FA2]  }
0x28: {  	s2 =	sld [smem:$0x3FA3]  }
0x29: {  	s4 =	sld [smem:$0x3FA5]  }
0x2a: {  	p0 =	seq.s32 s5, $0x0;
	s5 =	sld [smem:$0x3FA6]  }
0x2b: {  	s6 =	sld [smem:$0x3FA7]  }
0x2c: {  	s7 =	sld [smem:$0x3FA8]  }
0x2d: {  	s3 =	simm.s32 $0x108;
	s8 =	sld [smem:$0x3FA9]  }
0x2e: {  	s3 =	simm.s32 @!p0 $0x1082;
	s9 =	sld [smem:$0x3FAA]  }
0x2f: {  	lr =	sadd.s32 s0, s3;
	s0 =	sld [smem:$0x3FA1]  }
0x30: {  	s3 =	sld [smem:$0x3FA4]  }
0x31: {  	[smem:$0x3FAD] =	sst s10  }
0x32: {  	s10 =	sld [smem:$0x3FAB];
	_ =	sdelay $0x3  }
0x33: {  	p0 =	seq.s32 s10, $0x1;
	s10 =	sld [smem:$0x3FAD];
	_ =	sdelay $0x3  }
0x34: {  	[smem:$0x3FAD] =	sst s10  }
0x35: {  	s10 =	sld [smem:$0x3FAC];
	_ =	sdelay $0x3  }
0x36: {  	p1 =	seq.s32 s10, $0x1;
	s10 =	sld [smem:$0x3FAD];
	_ =	sdelay $0x3  }
0x37: {  	[smem:$0x3FAD] =	sst s10  }
0x38: {  	s10 =	sld [smem:$0x3FAE]  }
0x39: {  	_ = 	snop;
	(pc) =	sbr.ind lr, $3  }
0x3a: {  	_ = 	snop  }
0x3b: {  	_ = 	snop  }
0x3c: {  	p2 =	seq.s32 s10, $0x1;
	s10 =	sld [smem:$0x3FAD]  }
0x3d: {  	_ =	shalt  }
0x3e: {  	_ =	shalt  }
0x3f: {  	_ =	shalt  }
0x40: {  	_ =	shalt  }
0x41: {  	_ =	shalt  }
0x42: {  	_ =	shalt  }
0x43: {  	_ =	shalt  }
0x44: {  	_ =	shalt  }
0x45: {  	_ =	shalt  }
0x46: {  	_ =	shalt  }
0x47: {  	_ =	shalt  }
0x48: {  	_ =	shalt  }
0x49: {  	_ =	shalt  }
0x4a: {  	_ =	shalt  }
0x4b: {  	_ =	shalt  }
0x4c: {  	_ =	shalt  }
0x4d: {  	_ =	shalt  }
0x4e: {  	_ =	shalt  }
0x4f: {  	_ =	shalt  }
0x50: {  	_ =	shalt  }
0x51: {  	_ =	shalt  }
0x52: {  	_ =	shalt  }
0x53: {  	_ =	shalt  }
0x54: {  	_ =	shalt  }
0x55: {  	_ =	shalt  }
0x56: {  	_ =	shalt  }
0x57: {  	_ =	shalt  }
0x58: {  	_ =	shalt  }
0x59: {  	_ =	shalt  }
0x5a: {  	_ =	shalt  }
0x5b: {  	_ =	shalt  }
0x5c: {  	_ =	shalt  }
0x5d: {  	_ =	shalt  }
0x5e: {  	_ =	shalt  }
0x5f: {  	_ =	shalt  }
0x60: {  	_ =	shalt  }
0x61: {  	_ =	shalt  }
0x62: {  	_ =	shalt  }
0x63: {  	_ =	shalt  }
0x64: {  	_ =	shalt  }
0x65: {  	_ =	shalt  }
0x66: {  	_ =	shalt  }
0x67: {  	_ =	shalt  }
0x68: {  	_ =	shalt  }
0x69: {  	_ =	shalt  }
0x6a: {  	_ =	shalt  }
0x6b: {  	_ =	shalt  }
0x6c: {  	_ =	shalt  }
0x6d: {  	_ =	shalt  }
0x6e: {  	_ =	shalt  }
0x6f: {  	_ =	shalt  }
0x70: {  	_ =	shalt  }
0x71: {  	_ =	shalt  }
0x72: {  	_ =	shalt  }
0x73: {  	_ =	shalt  }
0x74: {  	_ =	shalt  }
0x75: {  	_ =	shalt  }
0x76: {  	_ =	shalt  }
0x77: {  	_ =	shalt  }
0x78: {  	_ =	shalt  }
0x79: {  	_ =	shalt  }
0x7a: {  	_ =	shalt  }
0x7b: {  	_ =	shalt  }
0x7c: {  	_ =	shalt  }
0x7d: {  	_ =	shalt  }
0x7e: {  	_ =	shalt  }
0x7f: {  	_ =	shalt  }
0x80: {  	_ =	shalt  }
0x81: {  	_ =	shalt  }
0x82: {  	_ =	shalt  }
0x83: {  	_ =	shalt  }
0x84: {  	_ =	shalt  }
0x85: {  	_ =	shalt  }
0x86: {  	_ =	shalt  }
0x87: {  	_ =	shalt  }
.Lfunc_end0:
.L_simem_size_0:
called_computation_lowered:
.L_overlay_start_0:
0x88: {  	s2 =	sld [smem:$0x3FD9]  }
0x89: {  	s3 =	sld [smem:$0x3FFE];
	_ =	sdelay $0x1  }
0x8a: {  	s1 =	srdreg.scid  }
0x8b: {  	s0 =	sand.u32 $0x1, s1  }
0x8c: {  	s16 =	sshll.u32 s0, $0xA;
	s2 =	sadd.s32 s3, s2  }
0x8d: {  	s2 =	sadd.s32 s2, s16  }
0x8e: {  	[smem:$0x3FB9] =	sst s2  }
0x8f: {  	_ = 	snop  }
0x90: {  	(tm) =	ssettm $0x1  }
0x91: {  	s17 =	sld [smem:$0x3FFB];
	_ =	sdelay $0x3  }
0x92: {  	_ =	strace s17  }
0x93: {  	s2 =	sld [smem:$0x3FFC];
	_ =	sdelay $0x3  }
0x94: {  	_ =	strace s2  }
0x95: {  	s2 =	sld [smem:$0x3FFD];
	_ =	sdelay $0x3  }
0x96: {  	_ =	strace s2  }
0x97: {  	_ =	strace $0x8FFFFFFF  }
0x98: {  	s18 =	sld [smem:$0x3FDB];
	_ =	sdelay $0x1  }
0x99: {  	s19 =	simm.s32 $_scs_section_size  }
0x9a: {  	s4 =	simm.s32 $_size__tile_overlayer_lowered;
	s5 =	simm.s32 $_tile_overlayer_lowered  }
0x9b: {  	s22 =	simm.s32 $0x1BFF;
	s21 =	sshll.u32 s5, $0x1;
	s2 =	sadd.s32 s19, s18  }
0x9c: {  	s6 =	simm.s32 $0x0;
	s20 =	sshll.u32 s4, $0x1;
	s4 =	sadd.s32 s21, s2  }
0x9d: {  	[timem:s6], [sflag:s22] =	dma.local [hbm:s4], s20  }
0x9e: {  	_ =	swait.ge [sflag:s22], s20  }
0x9f: {  	s3 =	ssub.s32 $0x0, s20;
	[sflag:s22] =	ssyncset.done $0x0  }
0xa0: {  	[sflag:s22] =	ssyncadd.s32 s3;
	_ =	sdelay $0x1  }
0xa1: {  	s23 =	simm.s32 $0x1B8B  }
0xa2: {  	_ =	swait.ge [sflag:s23], $0x1  }
0xa3: {  	[sflag:s23] =	ssyncset.done $0x0  }
0xa4: {  	s25 =	simm.s32 $0x1B8E;
	s24 =	sld [smem:$0x3FFE];
	[sflag:s23] =	ssyncadd.s32 $0xFFFFFFFF  }
0xa5: {  	s26 =	simm.s32 $execute0_lowered;
	[smem:$0x3FD2] =	sst s25  }
0xa6: {  	s4 =	sshll.u32 s26, $0x1;
	_ =	strace $0x80000046;
	[dreg:$0x1] =	wrdreg $0xFFFFFFFF  }
0xa7: {  	s28 =	simm.s32 $_size_execute0_lowered;
	s2 =	sadd.s32 s2, s4;
	[dreg:$0x0] =	wrdreg $0x0  }
0xa8: {  	s4 =	sshll.u32 s28, $0x1;
	[dreg:$0x2] =	wrdreg s2  }
0xa9: {  	[dreg:$0x3] =	wrdreg s4  }
0xaa: {  	[dreg:$0x4] =	wrdreg $0xC0  }
0xab: {  	_ =	task [dreg:s6], $0x5FFFF  }
0xac: {  	[dreg:$0x1] =	wrdreg $0xFFFFFFFF  }
0xad: {  	[dreg:$0x0] =	wrdreg $0x60  }
0xae: {  	[dreg:$0x2] =	wrdreg s24  }
0xaf: {  	[dreg:$0x3] =	wrdreg $0x94000  }
0xb0: {  	[dreg:$0x4] =	wrdreg $0x9  }
0xb1: {  	_ =	task.clear_ibuf [dreg:s6], $0x5FFFF;
	_ =	strace $0x90000046  }
0xb2: {  	s29 =	simm.s32 $0x9;
	_ =	strace $0x80000048  }
0xb3: {  	_ =	swait.ge [sflag:s29], $0x1  }
0xb4: {  	[sflag:s29] =	ssyncadd.s32 $0xFFFFFFFF  }
0xb5: {  	_ =	strace $0x90000048  }
0xb6: {  	_ =	sfence  }
0xb7: {  	s30 =	sld [smem:$0x0];
	_ =	sdelay $0x2  }
0xb8: {  	s31 =	sshll.u32 s1, $0xD;
	s1 =	sshrl.u32 s1, $0x2  }
0xb9: {  	s3 =	sand.u32 $0x4000, s31;
	s1 =	sadd.s32 s1, s30  }
0xba: {  	s0 =	sor.u32 s3, s0;
	s1 =	sshll.u32 s1, $0x11  }
0xbb: {  	s0 =	sor.u32 s1, s0  }
0xbc: {  	s0 =	sadd.s32 $0x8F2B, s0  }
0xbd: {  	[sflag:s0] =	ssyncadd.remote.s32 $0x1  }
0xbe: {  	_ =	sfence.sel $0xFFFF  }
0xbf: {  	[dreg:$0x0] =	wrdreg $0xFFFFFFFF;
	(pc) =	sbr.abs _section_cstart, $3  }
0xc0: {  	[dreg:$0x1] =	wrdreg $0xFFFFFFFF  }
0xc1: {  	_ =	task.clear_ibuf [dreg:s6], $0x2FFFF;
	_ =	strace $0x9FFFFFFF  }
0xc2: {  	(tm) =	ssettm $0x7FFFFFFF  }
0xc3: {  	_ =	shalt  }
tec
execute0_lowered:
.L_overlay_start_1:
0x0: {  	(tag) =	ssettag $0x1  }
0x1: {  	s6 =	rddreg [dreg:$0x0]  }
0x2: {  	s0 =	srdreg.scid;
	s2 =	rddreg [dreg:$0x1]  }
0x3: {  	s1 =	stileid.u32;
	s3 =	simm.s32 $0x0;
	s17 =	simm.s32 $0x5800  }
0x4: {  	s18 =	simm.s32 $0x1;
	s7 =	sand.u32 $0x1, s0;
	s0 =	rddreg [dreg:$0x2]  }
0x5: {  	s19 =	simm.s32 $0x0;
	[smem:$0x7FF] =	sst s3;
	s9 =	smul.u32 $0x2700, s1  }
0x6: {  	s11 =	smul.u32 $0x4E000, s1;
	s12 =	sadd.s32 $0x43E00, s6;
	s16 =	sadd.s32 $0x138000, s2  }
0x7: {  	p0 =	sne.s32 s1, $0xF;
	s31 =	sshll.u32 s1, $0x6;
	s4 =	sshll.u32 s7, $0x4  }
0x8: {  	_ =	strace $0x80000047;
	s10 =	ssub.s32 $0x2, s7;
	s13 =	smul.u32 $0x138800, s7  }
0x9: {  	s14 =	smul.u32 $0x27100, s7;
	s4 =	sor.u32 s1, s4;
	s25 =	sshrl.u32 s10, $0x1  }
0xa: {  	s26 =	sshrl.u32 s11, $0x2;
	s11 =	simm.s32 $0x2;
	s5 =	smul.u32 $0x580, s4  }
0xb: {  	s4 =	sadd.s32 $0x1A400, s6;
	s10 =	ssub.s32 s10, s25;
	s28 =	sshrl.u32 s13, $0x3  }
0xc: {  	s15 =	sadd.s32 s26, s2;
	s29 =	sadd.s32 s9, s14;
	s13 =	sor.u32 $0x1C02, s31  }
0xd: {  	s30 =	sadd.s32 s12, s28;
	s10 =	smax.u32 s10, $0x1;
	s14 =	sshrl.u32 s15, $0x3  }
0xe: {  	s15 =	sshrl.u32 @!p0 s16, $0x3;
	s16 =	simm.s32 $0x78;
	s8 =	sadd.s32 s5, s6  }
0xf: {  	s5 =	sadd.s32 $0x41600, s6;
	s9 =	sadd.s32 $0x27000, s30;
	s6 =	sadd.s32 $0xF400, s8  }
0x10: {  	s7 =	sadd.s32 $0x4400, s8;
	s8 =	sadd.s32 s12, s29;
	s12 =	simm.s32 $0x2C00  }
.LBB2_1:
0x11: {  	[tilespmem:s3], [sflag:$0x2] =	stream.linear.gather [hbm4b:s6+s3], $0x2A00, $0x38;
	[tilespmem:$0x1CD00] =	vst v63  }
0x12: {  	_ =	swait.ge [sflag:s11], $0x2A00  }
0x13: {  	[sflag:s11] =	ssyncset.done $0x0  }
0x14: {  	[sflag:s11] =	ssyncadd.s32 $0xFFFFD600  }
0x15: {  	[tilespmem:s12], [sflag:$0x2] =	stream.linear.gather [hbm4b:s7+s3], $0x2A00, $0x38;
	[tilespmem:$0x1CD00] =	vst v63  }
0x16: {  	_ =	swait.ge [sflag:s11], $0x2A00  }
0x17: {  	[sflag:s11] =	ssyncset.done $0x0  }
0x18: {  	[sflag:s11] =	ssyncadd.s32 $0xFFFFD600  }
0x19: {  	[spmem:s14], [sflag:s13] =	dma.local [hbm:s5], $0x2700  }
0x1a: {  	_ =	swait.ge [sflag:s11], $0x2700  }
0x1b: {  	[sflag:s11] =	ssyncset.done $0x0  }
0x1c: {  	s20 =	simm.s32 @!p0 $0x2;
	[sflag:s11] =	ssyncadd.s32 $0xFFFFD900  }
0x1d: {  	[spmem:s15], [sflag:s13] =	dma.local @!p0 [hbm:s5], $0x100  }
0x1e: {  	_ =	swait.ge @!p0 [sflag:s20], $0x100  }
0x1f: {  	[sflag:s20] =	ssyncset.done @!p0 $0x0  }
0x20: {  	[sflag:s20] =	ssyncadd.s32 @!p0 $0xFFFFFF00  }
0x21: {  	s30 =	simm.s32 $0x0;
	[bflag:$0x0] =	sbarrier.arrive $0xFFFF  }
0x22: {  	[tilespmem:s17], [sflag:$0x1] =	stream.indirect.gather [hbm4b:s4+s16], $0x80, s30, s16, $0xb8;
	[tilespmem:$0x1CD00] =	vst v63  }
0x23: {  	_ =	swait.ge [sflag:s18], $0x3C00  }
0x24: {  	[sflag:s18] =	ssyncset.done $0x0  }
0x25: {  	s31 =	simm.s32 $0x2C00;
	[sflag:s18] =	ssyncadd.s32 $0xFFFFC400  }
0x26: {  	[spmem:s2] =	stream.indirect.scatter.add.f32 [tilespmem:s17], [sflag:$0x2], $0x80, s31, s16, $0xb8;
	[tilespmem:$0x1CD00] =	vst v63  }
0x27: {  	_ =	swait.ge [sflag:s11], $0x3C00  }
0x28: {  	s21 =	simm.s32 $0x400;
	s20 =	simm.s32 $0x200;
	[sflag:s11] =	ssyncset.done $0x0  }
.LBB2_2:
0x29: {  	s22 =	sshra.s32 s20, $0x2  }
0x2a: {  	[sflag:s11] =	ssyncadd.s32 $0xFFFFC400;
	s20 =	smov.u32 s21;
	s23 =	sadd.s32 $0x200, s21  }
0x2b: {  	[tilespmem:s17], [sflag:$0x1] =	stream.indirect.gather [hbm4b:s4+s16], $0x80, s22, s16, $0xb8;
	[tilespmem:$0x1CD00] =	vst v63  }
0x2c: {  	p1 =	sne.s32 s21, $0xA600;
	_ =	swait.ge [sflag:s18], $0x3C00  }
.Ltmp0:
0x2d: {  	[sflag:s18] =	ssyncset.done $0x0;
	(pc) =	sbr.rel @p1 .LBB2_2-.Ltmp0, $4  }
0x2e: {  	s21 =	sadd.s32 $0x2C00, s22;
	[sflag:s18] =	ssyncadd.s32 $0xFFFFC400  }
0x2f: {  	[spmem:s2] =	stream.indirect.scatter.add.f32 [tilespmem:s17], [sflag:$0x2], $0x80, s21, s16, $0xb8;
	[tilespmem:$0x1CD00] =	vst v63  }
0x30: {  	_ =	swait.ge [sflag:s11], $0x3C00  }
0x31: {  	s21 =	smov.u32 s23;
	[sflag:s11] =	ssyncset.done $0x0  }
0x32: {  	s20 =	sshra.s32 s20, $0x2;
	[sflag:s11] =	ssyncadd.s32 $0xFFFFC400  }
0x33: {  	[tilespmem:s17], [sflag:$0x1] =	stream.indirect.gather [hbm4b:s4+s16], $0x80, s20, s16, $0xb8;
	[tilespmem:$0x1CD00] =	vst v63  }
0x34: {  	_ =	swait.ge [sflag:s18], $0x3C00  }
0x35: {  	[sflag:s18] =	ssyncset.done $0x0  }
0x36: {  	s20 =	sadd.s32 $0x2C00, s20;
	[sflag:s18] =	ssyncadd.s32 $0xFFFFC400  }
0x37: {  	[spmem:s2] =	stream.indirect.scatter.add.f32 [tilespmem:s17], [sflag:$0x2], $0x80, s20, s16, $0xb8;
	[tilespmem:$0x1CD00] =	vst v63  }
0x38: {  	_ =	swait.ge [sflag:s11], $0x3C00  }
0x39: {  	[sflag:s11] =	ssyncset.done $0x0  }
0x3a: {  	[sflag:s11] =	ssyncadd.s32 $0xFFFFC400  }
0x3b: {  	[bflag:$0x0] =	sbarrier.arrive $0xFFFF  }
0x3c: {  	[hbm:s8], [sflag:s13] =	dma.local [spmem:s14], $0x2700  }
0x3d: {  	s19 =	sadd.s32 $0x1, s19;
	_ =	swait.ge [sflag:s11], $0x2700  }
0x3e: {  	p1 =	sne.s32 s19, s10;
	[sflag:s11] =	ssyncset.done $0x0  }
.Ltmp1:
0x3f: {  	s20 =	simm.s32 @!p0 $0x2;
	[sflag:s11] =	ssyncadd.s32 $0xFFFFD900;
	(pc) =	sbr.rel @p1 .LBB2_1-.Ltmp1, $4  }
0x40: {  	[hbm:s9], [sflag:s13] =	dma.local @!p0 [spmem:s15], $0x100  }
0x41: {  	_ =	swait.ge @!p0 [sflag:s20], $0x100  }
0x42: {  	[sflag:s20] =	ssyncset.done @!p0 $0x0  }
0x43: {  	[sflag:s20] =	ssyncadd.s32 @!p0 $0xFFFFFF00  }
0x44: {  	_ =	sfence.sel $0x180000  }
0x45: {  	[bflag:$0x0] =	sbarrier.arrive $0xFFFF  }
0x46: {  	p0 =	sne.s32 s1, $0x0;
	_ =	strace $0x90000047  }
0x47: {  	s0 =	sadd.s32 @!p0 $0x100000, s0;
	[bflag:$0x2] =	sbarrier.arrive $0xFFFF  }
0x48: {  	[sflag:s0] =	ssyncadd.tile.s32 @!p0 $0x1;
	_ =	shalt  }
.Lfunc_end2:
_tile_overlayer_lowered:
.L_overlay_start_2:
0x49: {  	(tag) =	ssettag $0x2  }
0x4a: {  	s0 =	rddreg [dreg:$0x0];
	s2 =	stileid.u32  }
0x4b: {  	s1 =	rddreg [dreg:$0x1];
	p0 =	sne.s32 s2, $0x0  }
0x4c: {  	s3 =	rddreg [dreg:$0x2];
	[bflag:$0x3] =	sbarrier.arrive $0xFFFF;
	s2 =	simm.s32 @!p0 $0x1C02  }
0x4d: {  	[timem:s3], [sflag:s2] =	dma.local @!p0 [hbm:s0], s1  }
0x4e: {  	s0 =	simm.s32 @!p0 $0x2  }
0x4f: {  	_ =	swait.ge @!p0 [sflag:s0], s1  }
0x50: {  	s1 =	ssub.s32 @!p0 $0x0, s1;
	[sflag:s0] =	ssyncset.done @!p0 $0x0  }
0x51: {  	[sflag:s0] =	ssyncadd.s32 @!p0 s1  }
0x52: {  	[bflag:$0x3] =	sbarrier.arrive $0xFFFF  }
0x53: {  	_ =	shalt  }

</sc_bundles>
